<compile_context>
chip_gen: v7x
topology: tpu7x:2x2x1
jax: 0.10.2.dev20260603
libtpu: 0.0.44.dev20260713+nightly
codegen_flags: <defaults>
</compile_context>

<pallas_src>
import functools

import jax
import jax.numpy as jnp
from jax import lax
from jax.experimental import pallas as pl
from jax.experimental.pallas import tpu as pltpu
from jax.experimental.pallas import tpu_sc as plsc

_NC = 2
_NS = 16
_NW = _NC * _NS
_C = 80


@functools.lru_cache(maxsize=None)
def _deg_kernel(n, e):
    epw = e // _NW
    nch = epw // _C
    rpt = n // _NS
    mesh = plsc.VectorSubcoreMesh(core_axis_name="c", subcore_axis_name="s")

    def body(dst_hbm, ones_hbm, zeros_hbm, out_hbm, idx_v, ones_v, hist_sh):
        c = lax.axis_index("c")
        s = lax.axis_index("s")
        wid = c * _NS + s
        pltpu.sync_copy(zeros_hbm, hist_sh.at[pl.ds(s * rpt, rpt)])
        pltpu.sync_copy(ones_hbm, ones_v)
        plsc.subcore_barrier()
        base = wid * epw

        def step(i, carry):
            off = base + i * _C
            pltpu.sync_copy(dst_hbm.at[pl.ds(off, _C)], idx_v)
            pltpu.sync_copy(ones_v, hist_sh.at[idx_v], add=True)
            return carry

        lax.fori_loop(0, nch, step, 0)
        plsc.subcore_barrier()
        pltpu.sync_copy(hist_sh.at[pl.ds(s * rpt, rpt)],
                        out_hbm.at[c, pl.ds(s * rpt, rpt)])

    return pl.kernel(
        body,
        out_type=jax.ShapeDtypeStruct((_NC, n, 8), jnp.float32),
        mesh=mesh,
        compiler_params=pltpu.CompilerParams(use_tc_tiling_on_sc=False),
        scratch_types=[
            pltpu.VMEM((_C,), jnp.int32),
            pltpu.VMEM((_C, 8), jnp.float32),
            pltpu.VMEM_SHARED((n, 8), jnp.float32),
        ],
    )


@functools.lru_cache(maxsize=None)
def _agg_kernel(n, e, d):
    epw = e // _NW
    nch = epw // _C
    rpt = n // _NS
    mesh = plsc.VectorSubcoreMesh(core_axis_name="c", subcore_axis_name="s")

    def body(hs_hbm, src_hbm, dst_hbm, zeros_hbm, out_hbm,
             idxs_v, idxd_v, rows_v, acc_sh, sem):
        c = lax.axis_index("c")
        s = lax.axis_index("s")
        wid = c * _NS + s
        pltpu.sync_copy(zeros_hbm, acc_sh.at[pl.ds(s * rpt, rpt)])
        plsc.subcore_barrier()
        base = wid * epw

        def step(i, carry):
            off = base + i * _C
            pltpu.sync_copy(src_hbm.at[pl.ds(off, _C)], idxs_v)
            pltpu.sync_copy(dst_hbm.at[pl.ds(off, _C)], idxd_v)
            pltpu.async_copy(hs_hbm.at[idxs_v], rows_v, sem).wait()
            pltpu.sync_copy(rows_v, acc_sh.at[idxd_v], add=True)
            return carry

        lax.fori_loop(0, nch, step, 0)
        plsc.subcore_barrier()
        pltpu.sync_copy(acc_sh.at[pl.ds(s * rpt, rpt)],
                        out_hbm.at[c, pl.ds(s * rpt, rpt)])

    return pl.kernel(
        body,
        out_type=jax.ShapeDtypeStruct((_NC, n, d), jnp.float32),
        mesh=mesh,
        compiler_params=pltpu.CompilerParams(use_tc_tiling_on_sc=False),
        scratch_types=[
            pltpu.VMEM((_C,), jnp.int32),
            pltpu.VMEM((_C,), jnp.int32),
            pltpu.VMEM((_C, d), jnp.float32),
            pltpu.VMEM_SHARED((n, d), jnp.float32),
            pltpu.SemaphoreType.DMA,
        ],
    )


def _pre_body(x_ref, w1_ref, hist_ref, hs_ref, dis_ref):
    deg = hist_ref[0, :, 0:1] + hist_ref[1, :, 0:1] + 1.0
    dis = lax.rsqrt(deg)
    h1 = jnp.dot(x_ref[...], w1_ref[...], preferred_element_type=jnp.float32)
    dis_ref[...] = dis
    hs_ref[...] = h1 * dis


def _mid_body(s1_ref, hs_ref, dis_ref, b1_ref, zs_ref):
    dis = dis_ref[...]
    z = jnp.maximum((s1_ref[0] + s1_ref[1] + hs_ref[...]) * dis + b1_ref[...],
                    0.0)
    zs_ref[...] = z * dis


def _post_body(s2_ref, zs_ref, dis_ref, w2_ref, b2_ref, o_ref):
    agg = (s2_ref[0] + s2_ref[1] + zs_ref[...]) * dis_ref[...]
    o_ref[...] = (jnp.dot(agg, w2_ref[...], preferred_element_type=jnp.float32)
                  + b2_ref[...])


def kernel(x, edge_index, W1, b1, W2, b2):
    n, d_in = x.shape
    e = edge_index.shape[1]
    hdim = W1.shape[1]
    d_out = W2.shape[1]
    rpt = n // _NS

    src = edge_index[0]
    dst = edge_index[1]

    ones8 = jnp.ones((_C, 8), jnp.float32)
    zeros8 = jnp.zeros((rpt, 8), jnp.float32)
    zerosh = jnp.zeros((rpt, hdim), jnp.float32)

    hist = _deg_kernel(n, e)(dst, ones8, zeros8)

    hs1, dis = pl.pallas_call(
        _pre_body,
        out_shape=(jax.ShapeDtypeStruct((n, hdim), jnp.float32),
                   jax.ShapeDtypeStruct((n, 1), jnp.float32)),
    )(x, W1, hist)

    s1 = _agg_kernel(n, e, hdim)(hs1, src, dst, zerosh)

    zs1 = pl.pallas_call(
        _mid_body,
        out_shape=jax.ShapeDtypeStruct((n, hdim), jnp.float32),
    )(s1, hs1, dis, b1.reshape(1, hdim))

    s2 = _agg_kernel(n, e, hdim)(zs1, src, dst, zerosh)

    out = pl.pallas_call(
        _post_body,
        out_shape=jax.ShapeDtypeStruct((n, d_out), jnp.float32),
    )(s2, zs1, dis, W2, b2.reshape(1, d_out))

    return out

# --- scband reference (transcript-rebuilt; emitter-appended) ---
"""Pipeline reference for scband-gcn-net-738734375374 (READ-ONLY COPY).

The authoritative reference and input builder live on the scoring server;
editing this copy changes nothing except your own understanding.
"""

import jax, jax.numpy as jnp
import numpy as np

N = 10000
E = 320000
D_IN = 128
HIDDEN = 64
D_OUT = 128


def setup_inputs(seed: int = 0) -> dict:
    key = jax.random.key(seed)
    k1, k2, k3, k4, k5, k6 = jax.random.split(key, 6)
    x = jax.random.normal(k1, (N, D_IN), dtype=jnp.float32)
    edge_index = jax.random.randint(k2, (2, E), 0, N, dtype=jnp.int32)
    # Glorot-style init for GCNConv linear weights, zeros for bias (PyG default)
    s1 = float(np.sqrt(6.0 / (D_IN + HIDDEN)))
    s2 = float(np.sqrt(6.0 / (HIDDEN + D_OUT)))
    W1 = jax.random.uniform(k3, (D_IN, HIDDEN), dtype=jnp.float32, minval=-s1, maxval=s1)
    b1 = jnp.zeros((HIDDEN,), dtype=jnp.float32)
    W2 = jax.random.uniform(k4, (HIDDEN, D_OUT), dtype=jnp.float32, minval=-s2, maxval=s2)
    b2 = jnp.zeros((D_OUT,), dtype=jnp.float32)
    return {"x": x, "edge_index": edge_index, "W1": W1, "b1": b1, "W2": W2, "b2": b2}


def _gcn_layer(x, src, dst, deg_inv_sqrt, W, b, n):
    # x' = D^{-1/2} (A + I) D^{-1/2} X W + b   (PyG GCNConv, normalize=True, add_self_loops=True)
    h = x @ W
    norm = deg_inv_sqrt[src] * deg_inv_sqrt[dst]
    msg = h[src] * norm[:, None]
    out = jax.ops.segment_sum(msg, dst, num_segments=n)
    return out + b


def reference(x, edge_index, W1, b1, W2, b2):
    n = x.shape[0]
    loops = jnp.arange(n, dtype=edge_index.dtype)
    src = jnp.concatenate([edge_index[0], loops])
    dst = jnp.concatenate([edge_index[1], loops])
    # degree (with self-loops) computed at destination nodes
    deg = jax.ops.segment_sum(jnp.ones_like(dst, dtype=jnp.float32), dst, num_segments=n)
    deg_inv_sqrt = jnp.where(deg > 0, jax.lax.rsqrt(jnp.maximum(deg, 1e-12)), 0.0)
    # layer 1 + relu (dropout p=0.0 / eval mode -> identity)
    h = _gcn_layer(x, src, dst, deg_inv_sqrt, W1, b1, n)
    h = jax.nn.relu(h)
    # layer 2 (no activation after final layer)
    out = _gcn_layer(h, src, dst, deg_inv_sqrt, W2, b2, n)
    return out

if __name__ == "__main__":
    import jax
    _d = setup_inputs()
    print(jax.jit(kernel)(*tuple(_d.values())))

</pallas_src>

<mosaic_0001>
#map = affine_map<(d0, d1) -> (0)>
#map1 = affine_map<(d0, d1) -> (0, 0)>
#map2 = affine_map<(d0, d1) -> (0, 0, 0)>
module attributes {stable_mosaic.version = 14 : i64} {
  func.func @body(%arg0: i32, %arg1: i32, %arg2: memref<320000xi32, #tpu.memory_space<hbm>>, %arg3: memref<80x8xf32, #tpu.memory_space<hbm>>, %arg4: memref<625x8xf32, #tpu.memory_space<hbm>>, %arg5: memref<2x10000x8xf32, #tpu.memory_space<hbm>>, %arg6: memref<80xi32, #tpu.memory_space<vmem>>, %arg7: memref<80x8xf32, #tpu.memory_space<vmem>>, %arg8: memref<10000x8xf32, #tpu.memory_space<vmem_shared>>) attributes {dimension_semantics = [#tpu.dimension_semantics<core_parallel>, #tpu.dimension_semantics<subcore_parallel>], iteration_bounds = array<i64: 2, 16>, scalar_prefetch = 0 : i64, scratch_operands = 3 : i64, tpu.core_type = #tpu.core_type<sc_vector_subcore>, window_params = [{transform_indices = #map}, {transform_indices = #map1}, {transform_indices = #map1}, {transform_indices = #map2}]} {
    %mul3A = arith.constant 16 : i32
    %mul3A_0 = arith.muli %arg0, %mul3A : i32
    %add3A = arith.addi %mul3A_0, %arg1 : i32
    %mul3A_1 = arith.constant 625 : i32
    %mul3A_2 = arith.muli %arg1, %mul3A_1 : i32
    "tpu.region"() ({
      %run_scoped3A = tpu.sem_alloc : memref<!tpu.dma_semaphore, #tpu.memory_space<semaphore_mem>>
      %dma_start3A = arith.constant 0 : i32
      %dma_start3A_15 = tpu.memref_slice %arg8[%mul3A_2, %dma_start3A] : memref<10000x8xf32, #tpu.memory_space<vmem_shared>> -> memref<625x8xf32, #tpu.memory_space<vmem_shared>>
      tpu.enqueue_dma source(%arg4 : memref<625x8xf32, #tpu.memory_space<hbm>>) target(%dma_start3A_15 : memref<625x8xf32, #tpu.memory_space<vmem_shared>>) target_semaphore(%run_scoped3A : memref<!tpu.dma_semaphore, #tpu.memory_space<semaphore_mem>>)
      %dma_wait3A = arith.constant 0 : i32
      %dma_wait3A_16 = tpu.memref_slice %arg8[%mul3A_2, %dma_wait3A] : memref<10000x8xf32, #tpu.memory_space<vmem_shared>> -> memref<625x8xf32, #tpu.memory_space<vmem_shared>>
      tpu.wait_dma2 semaphore(%run_scoped3A : memref<!tpu.dma_semaphore, #tpu.memory_space<semaphore_mem>>) src(%arg4 : memref<625x8xf32, #tpu.memory_space<hbm>>) dst(%dma_wait3A_16 : memref<625x8xf32, #tpu.memory_space<vmem_shared>>)
      tpu.yield
    }) : () -> ()
    "tpu.region"() ({
      %run_scoped3A = tpu.sem_alloc : memref<!tpu.dma_semaphore, #tpu.memory_space<semaphore_mem>>
      tpu.enqueue_dma source(%arg3 : memref<80x8xf32, #tpu.memory_space<hbm>>) target(%arg7 : memref<80x8xf32, #tpu.memory_space<vmem>>) target_semaphore(%run_scoped3A : memref<!tpu.dma_semaphore, #tpu.memory_space<semaphore_mem>>)
      tpu.wait_dma2 semaphore(%run_scoped3A : memref<!tpu.dma_semaphore, #tpu.memory_space<semaphore_mem>>) src(%arg3 : memref<80x8xf32, #tpu.memory_space<hbm>>) dst(%arg7 : memref<80x8xf32, #tpu.memory_space<vmem>>)
      tpu.yield
    }) : () -> ()
    %barrier3A = arith.constant 0 : index
    tpu.barrier barrier_id(%barrier3A)
    %mul3A_3 = arith.constant 10000 : i32
    %mul3A_4 = arith.muli %add3A, %mul3A_3 : i32
    %scan3A = arith.constant 0 : i32
    %scan3A_5 = arith.constant 0 : i32
    %scan3A_6 = arith.constant 125 : i32
    %scan3A_7 = arith.addi %scan3A_5, %scan3A_6 : i32
    %scan3A_8 = arith.constant 1 : i32
    scf.for %scan3A_15 = %scan3A_5 to %scan3A_7 step %scan3A_8  : i32 {
      %mul3A_16 = arith.constant 80 : i32
      %mul3A_17 = arith.muli %scan3A_15, %mul3A_16 : i32
      %add3A_18 = arith.addi %mul3A_4, %mul3A_17 : i32
      "tpu.region"() ({
        %run_scoped3A = tpu.sem_alloc : memref<!tpu.dma_semaphore, #tpu.memory_space<semaphore_mem>>
        %dma_start3A = tpu.memref_slice %arg2[%add3A_18] : memref<320000xi32, #tpu.memory_space<hbm>> -> memref<80xi32, #tpu.memory_space<hbm>>
        %dma_start3A_19 = tpu.memref_slice %arg2[%add3A_18] : memref<320000xi32, #tpu.memory_space<hbm>> -> memref<80xi32, #tpu.memory_space<hbm>>
        tpu.enqueue_dma source(%dma_start3A_19 : memref<80xi32, #tpu.memory_space<hbm>>) target(%arg6 : memref<80xi32, #tpu.memory_space<vmem>>) target_semaphore(%run_scoped3A : memref<!tpu.dma_semaphore, #tpu.memory_space<semaphore_mem>>)
        %dma_wait3A = tpu.memref_slice %arg2[%add3A_18] : memref<320000xi32, #tpu.memory_space<hbm>> -> memref<80xi32, #tpu.memory_space<hbm>>
        %dma_wait3A_20 = tpu.memref_slice %arg2[%add3A_18] : memref<320000xi32, #tpu.memory_space<hbm>> -> memref<80xi32, #tpu.memory_space<hbm>>
        tpu.wait_dma2 semaphore(%run_scoped3A : memref<!tpu.dma_semaphore, #tpu.memory_space<semaphore_mem>>) src(%dma_wait3A_20 : memref<80xi32, #tpu.memory_space<hbm>>) dst(%arg6 : memref<80xi32, #tpu.memory_space<vmem>>)
        tpu.yield
      }) : () -> ()
      "tpu.region"() ({
        %run_scoped3A = tpu.sem_alloc : memref<!tpu.dma_semaphore, #tpu.memory_space<semaphore_mem>>
        %dma_start3A = arith.constant 0 : i32
        %dma_start3A_19 = arith.constant 0 : i32
        %dma_start3A_20 = tpu.memref_slice %arg8[%dma_start3A, %dma_start3A_19] : memref<10000x8xf32, #tpu.memory_space<vmem_shared>> -> memref<10000x8xf32, #tpu.memory_space<vmem_shared>>
        tpu.enqueue_indirect_dma source(%arg7 : memref<80x8xf32, #tpu.memory_space<vmem>>) target(%dma_start3A_20 : memref<10000x8xf32, #tpu.memory_space<vmem_shared>>) offsets(%arg6 : memref<80xi32, #tpu.memory_space<vmem>>) semaphore(%run_scoped3A : memref<!tpu.dma_semaphore, #tpu.memory_space<semaphore_mem>>) {add = true}
        %dma_wait3A = arith.constant 0 : i32
        %dma_wait3A_21 = arith.constant 0 : i32
        %dma_wait3A_22 = tpu.memref_slice %arg8[%dma_wait3A, %dma_wait3A_21] : memref<10000x8xf32, #tpu.memory_space<vmem_shared>> -> memref<10000x8xf32, #tpu.memory_space<vmem_shared>>
        tpu.wait_indirect_dma semaphore(%run_scoped3A : memref<!tpu.dma_semaphore, #tpu.memory_space<semaphore_mem>>) src(%arg7 : memref<80x8xf32, #tpu.memory_space<vmem>>) dst(%dma_wait3A_22 : memref<10000x8xf32, #tpu.memory_space<vmem_shared>>)
        tpu.yield
      }) : () -> ()
    }
    %scan3A_9 = arith.constant 125 : i32
    %barrier3A_10 = arith.constant 0 : index
    tpu.barrier barrier_id(%barrier3A_10)
    %mul3A_11 = arith.constant 625 : i32
    %mul3A_12 = arith.muli %arg1, %mul3A_11 : i32
    %mul3A_13 = arith.constant 625 : i32
    %mul3A_14 = arith.muli %arg1, %mul3A_13 : i32
    "tpu.region"() ({
      %run_scoped3A = tpu.sem_alloc : memref<!tpu.dma_semaphore, #tpu.memory_space<semaphore_mem>>
      %dma_start3A = arith.constant 0 : i32
      %dma_start3A_15 = tpu.memref_slice %arg5[%arg0, %mul3A_14, %dma_start3A] : memref<2x10000x8xf32, #tpu.memory_space<hbm>> -> memref<1x625x8xf32, #tpu.memory_space<hbm>>
      %dma_start3A_16 = tpu.memref_squeeze %dma_start3A_15 : memref<1x625x8xf32, #tpu.memory_space<hbm>> -> memref<625x8xf32, #tpu.memory_space<hbm>>
      %dma_start3A_17 = arith.constant 0 : i32
      %dma_start3A_18 = tpu.memref_slice %arg8[%mul3A_12, %dma_start3A_17] : memref<10000x8xf32, #tpu.memory_space<vmem_shared>> -> memref<625x8xf32, #tpu.memory_space<vmem_shared>>
      tpu.enqueue_dma source(%dma_start3A_18 : memref<625x8xf32, #tpu.memory_space<vmem_shared>>) target(%dma_start3A_16 : memref<625x8xf32, #tpu.memory_space<hbm>>) target_semaphore(%run_scoped3A : memref<!tpu.dma_semaphore, #tpu.memory_space<semaphore_mem>>)
      %dma_wait3A = arith.constant 0 : i32
      %dma_wait3A_19 = tpu.memref_slice %arg5[%arg0, %mul3A_14, %dma_wait3A] : memref<2x10000x8xf32, #tpu.memory_space<hbm>> -> memref<1x625x8xf32, #tpu.memory_space<hbm>>
      %dma_wait3A_20 = tpu.memref_squeeze %dma_wait3A_19 : memref<1x625x8xf32, #tpu.memory_space<hbm>> -> memref<625x8xf32, #tpu.memory_space<hbm>>
      %dma_wait3A_21 = arith.constant 0 : i32
      %dma_wait3A_22 = tpu.memref_slice %arg8[%mul3A_12, %dma_wait3A_21] : memref<10000x8xf32, #tpu.memory_space<vmem_shared>> -> memref<625x8xf32, #tpu.memory_space<vmem_shared>>
      tpu.wait_dma2 semaphore(%run_scoped3A : memref<!tpu.dma_semaphore, #tpu.memory_space<semaphore_mem>>) src(%dma_wait3A_22 : memref<625x8xf32, #tpu.memory_space<vmem_shared>>) dst(%dma_wait3A_20 : memref<625x8xf32, #tpu.memory_space<hbm>>)
      tpu.yield
    }) : () -> ()
    return
  }
}

#map = affine_map<(d0, d1) -> (0, 0)>
#map1 = affine_map<(d0, d1) -> (0)>
#map2 = affine_map<(d0, d1) -> (0, 0, 0)>
module attributes {stable_mosaic.version = 14 : i64} {
  func.func @body(%arg0: i32, %arg1: i32, %arg2: memref<10000x64xf32, #tpu.memory_space<hbm>>, %arg3: memref<320000xi32, #tpu.memory_space<hbm>>, %arg4: memref<320000xi32, #tpu.memory_space<hbm>>, %arg5: memref<625x64xf32, #tpu.memory_space<hbm>>, %arg6: memref<2x10000x64xf32, #tpu.memory_space<hbm>>, %arg7: memref<80xi32, #tpu.memory_space<vmem>>, %arg8: memref<80xi32, #tpu.memory_space<vmem>>, %arg9: memref<80x64xf32, #tpu.memory_space<vmem>>, %arg10: memref<10000x64xf32, #tpu.memory_space<vmem_shared>>, %arg11: memref<!tpu.dma_semaphore, #tpu.memory_space<semaphore_mem>>) attributes {dimension_semantics = [#tpu.dimension_semantics<core_parallel>, #tpu.dimension_semantics<subcore_parallel>], iteration_bounds = array<i64: 2, 16>, scalar_prefetch = 0 : i64, scratch_operands = 5 : i64, tpu.core_type = #tpu.core_type<sc_vector_subcore>, window_params = [{transform_indices = #map}, {transform_indices = #map1}, {transform_indices = #map1}, {transform_indices = #map}, {transform_indices = #map2}]} {
    %mul3A = arith.constant 16 : i32
    %mul3A_0 = arith.muli %arg0, %mul3A : i32
    %add3A = arith.addi %mul3A_0, %arg1 : i32
    %mul3A_1 = arith.constant 625 : i32
    %mul3A_2 = arith.muli %arg1, %mul3A_1 : i32
    "tpu.region"() ({
      %run_scoped3A = tpu.sem_alloc : memref<!tpu.dma_semaphore, #tpu.memory_space<semaphore_mem>>
      %dma_start3A = arith.constant 0 : i32
      %dma_start3A_15 = tpu.memref_slice %arg10[%mul3A_2, %dma_start3A] : memref<10000x64xf32, #tpu.memory_space<vmem_shared>> -> memref<625x64xf32, #tpu.memory_space<vmem_shared>>
      tpu.enqueue_dma source(%arg5 : memref<625x64xf32, #tpu.memory_space<hbm>>) target(%dma_start3A_15 : memref<625x64xf32, #tpu.memory_space<vmem_shared>>) target_semaphore(%run_scoped3A : memref<!tpu.dma_semaphore, #tpu.memory_space<semaphore_mem>>)
      %dma_wait3A = arith.constant 0 : i32
      %dma_wait3A_16 = tpu.memref_slice %arg10[%mul3A_2, %dma_wait3A] : memref<10000x64xf32, #tpu.memory_space<vmem_shared>> -> memref<625x64xf32, #tpu.memory_space<vmem_shared>>
      tpu.wait_dma2 semaphore(%run_scoped3A : memref<!tpu.dma_semaphore, #tpu.memory_space<semaphore_mem>>) src(%arg5 : memref<625x64xf32, #tpu.memory_space<hbm>>) dst(%dma_wait3A_16 : memref<625x64xf32, #tpu.memory_space<vmem_shared>>)
      tpu.yield
    }) : () -> ()
    %barrier3A = arith.constant 0 : index
    tpu.barrier barrier_id(%barrier3A)
    %mul3A_3 = arith.constant 10000 : i32
    %mul3A_4 = arith.muli %add3A, %mul3A_3 : i32
    %scan3A = arith.constant 0 : i32
    %scan3A_5 = arith.constant 0 : i32
    %scan3A_6 = arith.constant 125 : i32
    %scan3A_7 = arith.addi %scan3A_5, %scan3A_6 : i32
    %scan3A_8 = arith.constant 1 : i32
    scf.for %scan3A_15 = %scan3A_5 to %scan3A_7 step %scan3A_8  : i32 {
      %mul3A_16 = arith.constant 80 : i32
      %mul3A_17 = arith.muli %scan3A_15, %mul3A_16 : i32
      %add3A_18 = arith.addi %mul3A_4, %mul3A_17 : i32
      "tpu.region"() ({
        %run_scoped3A = tpu.sem_alloc : memref<!tpu.dma_semaphore, #tpu.memory_space<semaphore_mem>>
        %dma_start3A_23 = tpu.memref_slice %arg3[%add3A_18] : memref<320000xi32, #tpu.memory_space<hbm>> -> memref<80xi32, #tpu.memory_space<hbm>>
        %dma_start3A_24 = tpu.memref_slice %arg3[%add3A_18] : memref<320000xi32, #tpu.memory_space<hbm>> -> memref<80xi32, #tpu.memory_space<hbm>>
        tpu.enqueue_dma source(%dma_start3A_24 : memref<80xi32, #tpu.memory_space<hbm>>) target(%arg7 : memref<80xi32, #tpu.memory_space<vmem>>) target_semaphore(%run_scoped3A : memref<!tpu.dma_semaphore, #tpu.memory_space<semaphore_mem>>)
        %dma_wait3A_25 = tpu.memref_slice %arg3[%add3A_18] : memref<320000xi32, #tpu.memory_space<hbm>> -> memref<80xi32, #tpu.memory_space<hbm>>
        %dma_wait3A_26 = tpu.memref_slice %arg3[%add3A_18] : memref<320000xi32, #tpu.memory_space<hbm>> -> memref<80xi32, #tpu.memory_space<hbm>>
        tpu.wait_dma2 semaphore(%run_scoped3A : memref<!tpu.dma_semaphore, #tpu.memory_space<semaphore_mem>>) src(%dma_wait3A_26 : memref<80xi32, #tpu.memory_space<hbm>>) dst(%arg7 : memref<80xi32, #tpu.memory_space<vmem>>)
        tpu.yield
      }) : () -> ()
      "tpu.region"() ({
        %run_scoped3A = tpu.sem_alloc : memref<!tpu.dma_semaphore, #tpu.memory_space<semaphore_mem>>
        %dma_start3A_23 = tpu.memref_slice %arg4[%add3A_18] : memref<320000xi32, #tpu.memory_space<hbm>> -> memref<80xi32, #tpu.memory_space<hbm>>
        %dma_start3A_24 = tpu.memref_slice %arg4[%add3A_18] : memref<320000xi32, #tpu.memory_space<hbm>> -> memref<80xi32, #tpu.memory_space<hbm>>
        tpu.enqueue_dma source(%dma_start3A_24 : memref<80xi32, #tpu.memory_space<hbm>>) target(%arg8 : memref<80xi32, #tpu.memory_space<vmem>>) target_semaphore(%run_scoped3A : memref<!tpu.dma_semaphore, #tpu.memory_space<semaphore_mem>>)
        %dma_wait3A_25 = tpu.memref_slice %arg4[%add3A_18] : memref<320000xi32, #tpu.memory_space<hbm>> -> memref<80xi32, #tpu.memory_space<hbm>>
        %dma_wait3A_26 = tpu.memref_slice %arg4[%add3A_18] : memref<320000xi32, #tpu.memory_space<hbm>> -> memref<80xi32, #tpu.memory_space<hbm>>
        tpu.wait_dma2 semaphore(%run_scoped3A : memref<!tpu.dma_semaphore, #tpu.memory_space<semaphore_mem>>) src(%dma_wait3A_26 : memref<80xi32, #tpu.memory_space<hbm>>) dst(%arg8 : memref<80xi32, #tpu.memory_space<vmem>>)
        tpu.yield
      }) : () -> ()
      %dma_start3A = arith.constant 0 : i32
      %dma_start3A_19 = arith.constant 0 : i32
      %dma_start3A_20 = tpu.memref_slice %arg2[%dma_start3A, %dma_start3A_19] : memref<10000x64xf32, #tpu.memory_space<hbm>> -> memref<10000x64xf32, #tpu.memory_space<hbm>>
      tpu.enqueue_indirect_dma source(%dma_start3A_20 : memref<10000x64xf32, #tpu.memory_space<hbm>>) target(%arg9 : memref<80x64xf32, #tpu.memory_space<vmem>>) offsets(%arg7 : memref<80xi32, #tpu.memory_space<vmem>>) semaphore(%arg11 : memref<!tpu.dma_semaphore, #tpu.memory_space<semaphore_mem>>)
      %dma_wait3A = arith.constant 0 : i32
      %dma_wait3A_21 = arith.constant 0 : i32
      %dma_wait3A_22 = tpu.memref_slice %arg2[%dma_wait3A, %dma_wait3A_21] : memref<10000x64xf32, #tpu.memory_space<hbm>> -> memref<10000x64xf32, #tpu.memory_space<hbm>>
      tpu.wait_indirect_dma semaphore(%arg11 : memref<!tpu.dma_semaphore, #tpu.memory_space<semaphore_mem>>) src(%dma_wait3A_22 : memref<10000x64xf32, #tpu.memory_space<hbm>>) dst(%arg9 : memref<80x64xf32, #tpu.memory_space<vmem>>)
      "tpu.region"() ({
        %run_scoped3A = tpu.sem_alloc : memref<!tpu.dma_semaphore, #tpu.memory_space<semaphore_mem>>
        %dma_start3A_23 = arith.constant 0 : i32
        %dma_start3A_24 = arith.constant 0 : i32
        %dma_start3A_25 = tpu.memref_slice %arg10[%dma_start3A_23, %dma_start3A_24] : memref<10000x64xf32, #tpu.memory_space<vmem_shared>> -> memref<10000x64xf32, #tpu.memory_space<vmem_shared>>
        tpu.enqueue_indirect_dma source(%arg9 : memref<80x64xf32, #tpu.memory_space<vmem>>) target(%dma_start3A_25 : memref<10000x64xf32, #tpu.memory_space<vmem_shared>>) offsets(%arg8 : memref<80xi32, #tpu.memory_space<vmem>>) semaphore(%run_scoped3A : memref<!tpu.dma_semaphore, #tpu.memory_space<semaphore_mem>>) {add = true}
        %dma_wait3A_26 = arith.constant 0 : i32
        %dma_wait3A_27 = arith.constant 0 : i32
        %dma_wait3A_28 = tpu.memref_slice %arg10[%dma_wait3A_26, %dma_wait3A_27] : memref<10000x64xf32, #tpu.memory_space<vmem_shared>> -> memref<10000x64xf32, #tpu.memory_space<vmem_shared>>
        tpu.wait_indirect_dma semaphore(%run_scoped3A : memref<!tpu.dma_semaphore, #tpu.memory_space<semaphore_mem>>) src(%arg9 : memref<80x64xf32, #tpu.memory_space<vmem>>) dst(%dma_wait3A_28 : memref<10000x64xf32, #tpu.memory_space<vmem_shared>>)
        tpu.yield
      }) : () -> ()
    }
    %scan3A_9 = arith.constant 125 : i32
    %barrier3A_10 = arith.constant 0 : index
    tpu.barrier barrier_id(%barrier3A_10)
    %mul3A_11 = arith.constant 625 : i32
    %mul3A_12 = arith.muli %arg1, %mul3A_11 : i32
    %mul3A_13 = arith.constant 625 : i32
    %mul3A_14 = arith.muli %arg1, %mul3A_13 : i32
    "tpu.region"() ({
      %run_scoped3A = tpu.sem_alloc : memref<!tpu.dma_semaphore, #tpu.memory_space<semaphore_mem>>
      %dma_start3A = arith.constant 0 : i32
      %dma_start3A_15 = tpu.memref_slice %arg6[%arg0, %mul3A_14, %dma_start3A] : memref<2x10000x64xf32, #tpu.memory_space<hbm>> -> memref<1x625x64xf32, #tpu.memory_space<hbm>>
      %dma_start3A_16 = tpu.memref_squeeze %dma_start3A_15 : memref<1x625x64xf32, #tpu.memory_space<hbm>> -> memref<625x64xf32, #tpu.memory_space<hbm>>
      %dma_start3A_17 = arith.constant 0 : i32
      %dma_start3A_18 = tpu.memref_slice %arg10[%mul3A_12, %dma_start3A_17] : memref<10000x64xf32, #tpu.memory_space<vmem_shared>> -> memref<625x64xf32, #tpu.memory_space<vmem_shared>>
      tpu.enqueue_dma source(%dma_start3A_18 : memref<625x64xf32, #tpu.memory_space<vmem_shared>>) target(%dma_start3A_16 : memref<625x64xf32, #tpu.memory_space<hbm>>) target_semaphore(%run_scoped3A : memref<!tpu.dma_semaphore, #tpu.memory_space<semaphore_mem>>)
      %dma_wait3A = arith.constant 0 : i32
      %dma_wait3A_19 = tpu.memref_slice %arg6[%arg0, %mul3A_14, %dma_wait3A] : memref<2x10000x64xf32, #tpu.memory_space<hbm>> -> memref<1x625x64xf32, #tpu.memory_space<hbm>>
      %dma_wait3A_20 = tpu.memref_squeeze %dma_wait3A_19 : memref<1x625x64xf32, #tpu.memory_space<hbm>> -> memref<625x64xf32, #tpu.memory_space<hbm>>
      %dma_wait3A_21 = arith.constant 0 : i32
      %dma_wait3A_22 = tpu.memref_slice %arg10[%mul3A_12, %dma_wait3A_21] : memref<10000x64xf32, #tpu.memory_space<vmem_shared>> -> memref<625x64xf32, #tpu.memory_space<vmem_shared>>
      tpu.wait_dma2 semaphore(%run_scoped3A : memref<!tpu.dma_semaphore, #tpu.memory_space<semaphore_mem>>) src(%dma_wait3A_22 : memref<625x64xf32, #tpu.memory_space<vmem_shared>>) dst(%dma_wait3A_20 : memref<625x64xf32, #tpu.memory_space<hbm>>)
      tpu.yield
    }) : () -> ()
    return
  }
}

#map = affine_map<(d0, d1) -> (0, 0)>
#map1 = affine_map<(d0, d1) -> (0)>
#map2 = affine_map<(d0, d1) -> (0, 0, 0)>
module attributes {stable_mosaic.version = 14 : i64} {
  func.func @body(%arg0: i32, %arg1: i32, %arg2: memref<10000x64xf32, #tpu.memory_space<hbm>>, %arg3: memref<320000xi32, #tpu.memory_space<hbm>>, %arg4: memref<320000xi32, #tpu.memory_space<hbm>>, %arg5: memref<625x64xf32, #tpu.memory_space<hbm>>, %arg6: memref<2x10000x64xf32, #tpu.memory_space<hbm>>, %arg7: memref<80xi32, #tpu.memory_space<vmem>>, %arg8: memref<80xi32, #tpu.memory_space<vmem>>, %arg9: memref<80x64xf32, #tpu.memory_space<vmem>>, %arg10: memref<10000x64xf32, #tpu.memory_space<vmem_shared>>, %arg11: memref<!tpu.dma_semaphore, #tpu.memory_space<semaphore_mem>>) attributes {dimension_semantics = [#tpu.dimension_semantics<core_parallel>, #tpu.dimension_semantics<subcore_parallel>], iteration_bounds = array<i64: 2, 16>, scalar_prefetch = 0 : i64, scratch_operands = 5 : i64, tpu.core_type = #tpu.core_type<sc_vector_subcore>, window_params = [{transform_indices = #map}, {transform_indices = #map1}, {transform_indices = #map1}, {transform_indices = #map}, {transform_indices = #map2}]} {
    %mul3A = arith.constant 16 : i32
    %mul3A_0 = arith.muli %arg0, %mul3A : i32
    %add3A = arith.addi %mul3A_0, %arg1 : i32
    %mul3A_1 = arith.constant 625 : i32
    %mul3A_2 = arith.muli %arg1, %mul3A_1 : i32
    "tpu.region"() ({
      %run_scoped3A = tpu.sem_alloc : memref<!tpu.dma_semaphore, #tpu.memory_space<semaphore_mem>>
      %dma_start3A = arith.constant 0 : i32
      %dma_start3A_15 = tpu.memref_slice %arg10[%mul3A_2, %dma_start3A] : memref<10000x64xf32, #tpu.memory_space<vmem_shared>> -> memref<625x64xf32, #tpu.memory_space<vmem_shared>>
      tpu.enqueue_dma source(%arg5 : memref<625x64xf32, #tpu.memory_space<hbm>>) target(%dma_start3A_15 : memref<625x64xf32, #tpu.memory_space<vmem_shared>>) target_semaphore(%run_scoped3A : memref<!tpu.dma_semaphore, #tpu.memory_space<semaphore_mem>>)
      %dma_wait3A = arith.constant 0 : i32
      %dma_wait3A_16 = tpu.memref_slice %arg10[%mul3A_2, %dma_wait3A] : memref<10000x64xf32, #tpu.memory_space<vmem_shared>> -> memref<625x64xf32, #tpu.memory_space<vmem_shared>>
      tpu.wait_dma2 semaphore(%run_scoped3A : memref<!tpu.dma_semaphore, #tpu.memory_space<semaphore_mem>>) src(%arg5 : memref<625x64xf32, #tpu.memory_space<hbm>>) dst(%dma_wait3A_16 : memref<625x64xf32, #tpu.memory_space<vmem_shared>>)
      tpu.yield
    }) : () -> ()
    %barrier3A = arith.constant 0 : index
    tpu.barrier barrier_id(%barrier3A)
    %mul3A_3 = arith.constant 10000 : i32
    %mul3A_4 = arith.muli %add3A, %mul3A_3 : i32
    %scan3A = arith.constant 0 : i32
    %scan3A_5 = arith.constant 0 : i32
    %scan3A_6 = arith.constant 125 : i32
    %scan3A_7 = arith.addi %scan3A_5, %scan3A_6 : i32
    %scan3A_8 = arith.constant 1 : i32
    scf.for %scan3A_15 = %scan3A_5 to %scan3A_7 step %scan3A_8  : i32 {
      %mul3A_16 = arith.constant 80 : i32
      %mul3A_17 = arith.muli %scan3A_15, %mul3A_16 : i32
      %add3A_18 = arith.addi %mul3A_4, %mul3A_17 : i32
      "tpu.region"() ({
        %run_scoped3A = tpu.sem_alloc : memref<!tpu.dma_semaphore, #tpu.memory_space<semaphore_mem>>
        %dma_start3A_23 = tpu.memref_slice %arg3[%add3A_18] : memref<320000xi32, #tpu.memory_space<hbm>> -> memref<80xi32, #tpu.memory_space<hbm>>
        %dma_start3A_24 = tpu.memref_slice %arg3[%add3A_18] : memref<320000xi32, #tpu.memory_space<hbm>> -> memref<80xi32, #tpu.memory_space<hbm>>
        tpu.enqueue_dma source(%dma_start3A_24 : memref<80xi32, #tpu.memory_space<hbm>>) target(%arg7 : memref<80xi32, #tpu.memory_space<vmem>>) target_semaphore(%run_scoped3A : memref<!tpu.dma_semaphore, #tpu.memory_space<semaphore_mem>>)
        %dma_wait3A_25 = tpu.memref_slice %arg3[%add3A_18] : memref<320000xi32, #tpu.memory_space<hbm>> -> memref<80xi32, #tpu.memory_space<hbm>>
        %dma_wait3A_26 = tpu.memref_slice %arg3[%add3A_18] : memref<320000xi32, #tpu.memory_space<hbm>> -> memref<80xi32, #tpu.memory_space<hbm>>
        tpu.wait_dma2 semaphore(%run_scoped3A : memref<!tpu.dma_semaphore, #tpu.memory_space<semaphore_mem>>) src(%dma_wait3A_26 : memref<80xi32, #tpu.memory_space<hbm>>) dst(%arg7 : memref<80xi32, #tpu.memory_space<vmem>>)
        tpu.yield
      }) : () -> ()
      "tpu.region"() ({
        %run_scoped3A = tpu.sem_alloc : memref<!tpu.dma_semaphore, #tpu.memory_space<semaphore_mem>>
        %dma_start3A_23 = tpu.memref_slice %arg4[%add3A_18] : memref<320000xi32, #tpu.memory_space<hbm>> -> memref<80xi32, #tpu.memory_space<hbm>>
        %dma_start3A_24 = tpu.memref_slice %arg4[%add3A_18] : memref<320000xi32, #tpu.memory_space<hbm>> -> memref<80xi32, #tpu.memory_space<hbm>>
        tpu.enqueue_dma source(%dma_start3A_24 : memref<80xi32, #tpu.memory_space<hbm>>) target(%arg8 : memref<80xi32, #tpu.memory_space<vmem>>) target_semaphore(%run_scoped3A : memref<!tpu.dma_semaphore, #tpu.memory_space<semaphore_mem>>)
        %dma_wait3A_25 = tpu.memref_slice %arg4[%add3A_18] : memref<320000xi32, #tpu.memory_space<hbm>> -> memref<80xi32, #tpu.memory_space<hbm>>
        %dma_wait3A_26 = tpu.memref_slice %arg4[%add3A_18] : memref<320000xi32, #tpu.memory_space<hbm>> -> memref<80xi32, #tpu.memory_space<hbm>>
        tpu.wait_dma2 semaphore(%run_scoped3A : memref<!tpu.dma_semaphore, #tpu.memory_space<semaphore_mem>>) src(%dma_wait3A_26 : memref<80xi32, #tpu.memory_space<hbm>>) dst(%arg8 : memref<80xi32, #tpu.memory_space<vmem>>)
        tpu.yield
      }) : () -> ()
      %dma_start3A = arith.constant 0 : i32
      %dma_start3A_19 = arith.constant 0 : i32
      %dma_start3A_20 = tpu.memref_slice %arg2[%dma_start3A, %dma_start3A_19] : memref<10000x64xf32, #tpu.memory_space<hbm>> -> memref<10000x64xf32, #tpu.memory_space<hbm>>
      tpu.enqueue_indirect_dma source(%dma_start3A_20 : memref<10000x64xf32, #tpu.memory_space<hbm>>) target(%arg9 : memref<80x64xf32, #tpu.memory_space<vmem>>) offsets(%arg7 : memref<80xi32, #tpu.memory_space<vmem>>) semaphore(%arg11 : memref<!tpu.dma_semaphore, #tpu.memory_space<semaphore_mem>>)
      %dma_wait3A = arith.constant 0 : i32
      %dma_wait3A_21 = arith.constant 0 : i32
      %dma_wait3A_22 = tpu.memref_slice %arg2[%dma_wait3A, %dma_wait3A_21] : memref<10000x64xf32, #tpu.memory_space<hbm>> -> memref<10000x64xf32, #tpu.memory_space<hbm>>
      tpu.wait_indirect_dma semaphore(%arg11 : memref<!tpu.dma_semaphore, #tpu.memory_space<semaphore_mem>>) src(%dma_wait3A_22 : memref<10000x64xf32, #tpu.memory_space<hbm>>) dst(%arg9 : memref<80x64xf32, #tpu.memory_space<vmem>>)
      "tpu.region"() ({
        %run_scoped3A = tpu.sem_alloc : memref<!tpu.dma_semaphore, #tpu.memory_space<semaphore_mem>>
        %dma_start3A_23 = arith.constant 0 : i32
        %dma_start3A_24 = arith.constant 0 : i32
        %dma_start3A_25 = tpu.memref_slice %arg10[%dma_start3A_23, %dma_start3A_24] : memref<10000x64xf32, #tpu.memory_space<vmem_shared>> -> memref<10000x64xf32, #tpu.memory_space<vmem_shared>>
        tpu.enqueue_indirect_dma source(%arg9 : memref<80x64xf32, #tpu.memory_space<vmem>>) target(%dma_start3A_25 : memref<10000x64xf32, #tpu.memory_space<vmem_shared>>) offsets(%arg8 : memref<80xi32, #tpu.memory_space<vmem>>) semaphore(%run_scoped3A : memref<!tpu.dma_semaphore, #tpu.memory_space<semaphore_mem>>) {add = true}
        %dma_wait3A_26 = arith.constant 0 : i32
        %dma_wait3A_27 = arith.constant 0 : i32
        %dma_wait3A_28 = tpu.memref_slice %arg10[%dma_wait3A_26, %dma_wait3A_27] : memref<10000x64xf32, #tpu.memory_space<vmem_shared>> -> memref<10000x64xf32, #tpu.memory_space<vmem_shared>>
        tpu.wait_indirect_dma semaphore(%run_scoped3A : memref<!tpu.dma_semaphore, #tpu.memory_space<semaphore_mem>>) src(%arg9 : memref<80x64xf32, #tpu.memory_space<vmem>>) dst(%dma_wait3A_28 : memref<10000x64xf32, #tpu.memory_space<vmem_shared>>)
        tpu.yield
      }) : () -> ()
    }
    %scan3A_9 = arith.constant 125 : i32
    %barrier3A_10 = arith.constant 0 : index
    tpu.barrier barrier_id(%barrier3A_10)
    %mul3A_11 = arith.constant 625 : i32
    %mul3A_12 = arith.muli %arg1, %mul3A_11 : i32
    %mul3A_13 = arith.constant 625 : i32
    %mul3A_14 = arith.muli %arg1, %mul3A_13 : i32
    "tpu.region"() ({
      %run_scoped3A = tpu.sem_alloc : memref<!tpu.dma_semaphore, #tpu.memory_space<semaphore_mem>>
      %dma_start3A = arith.constant 0 : i32
      %dma_start3A_15 = tpu.memref_slice %arg6[%arg0, %mul3A_14, %dma_start3A] : memref<2x10000x64xf32, #tpu.memory_space<hbm>> -> memref<1x625x64xf32, #tpu.memory_space<hbm>>
      %dma_start3A_16 = tpu.memref_squeeze %dma_start3A_15 : memref<1x625x64xf32, #tpu.memory_space<hbm>> -> memref<625x64xf32, #tpu.memory_space<hbm>>
      %dma_start3A_17 = arith.constant 0 : i32
      %dma_start3A_18 = tpu.memref_slice %arg10[%mul3A_12, %dma_start3A_17] : memref<10000x64xf32, #tpu.memory_space<vmem_shared>> -> memref<625x64xf32, #tpu.memory_space<vmem_shared>>
      tpu.enqueue_dma source(%dma_start3A_18 : memref<625x64xf32, #tpu.memory_space<vmem_shared>>) target(%dma_start3A_16 : memref<625x64xf32, #tpu.memory_space<hbm>>) target_semaphore(%run_scoped3A : memref<!tpu.dma_semaphore, #tpu.memory_space<semaphore_mem>>)
      %dma_wait3A = arith.constant 0 : i32
      %dma_wait3A_19 = tpu.memref_slice %arg6[%arg0, %mul3A_14, %dma_wait3A] : memref<2x10000x64xf32, #tpu.memory_space<hbm>> -> memref<1x625x64xf32, #tpu.memory_space<hbm>>
      %dma_wait3A_20 = tpu.memref_squeeze %dma_wait3A_19 : memref<1x625x64xf32, #tpu.memory_space<hbm>> -> memref<625x64xf32, #tpu.memory_space<hbm>>
      %dma_wait3A_21 = arith.constant 0 : i32
      %dma_wait3A_22 = tpu.memref_slice %arg10[%mul3A_12, %dma_wait3A_21] : memref<10000x64xf32, #tpu.memory_space<vmem_shared>> -> memref<625x64xf32, #tpu.memory_space<vmem_shared>>
      tpu.wait_dma2 semaphore(%run_scoped3A : memref<!tpu.dma_semaphore, #tpu.memory_space<semaphore_mem>>) src(%dma_wait3A_22 : memref<625x64xf32, #tpu.memory_space<vmem_shared>>) dst(%dma_wait3A_20 : memref<625x64xf32, #tpu.memory_space<hbm>>)
      tpu.yield
    }) : () -> ()
    return
  }
}

module attributes {stable_mosaic.version = 14 : i64} {
  func.func @_pre_body(%arg0: memref<10000x128xf32, #tpu.memory_space<vmem>>, %arg1: memref<128x64xf32, #tpu.memory_space<vmem>>, %arg2: memref<2x10000x8xf32, #tpu.memory_space<vmem>>, %arg3: memref<10000x64xf32, #tpu.memory_space<vmem>>, %arg4: memref<10000x1xf32, #tpu.memory_space<vmem>>) attributes {dimension_semantics = [], scalar_prefetch = 0 : i64, scratch_operands = 0 : i64, tpu.core_type = #tpu.core_type<tc>} {
    %get3A = arith.constant 0 : index
    %get3A_0 = arith.constant 0 : index
    %get3A_1 = arith.constant 0 : index
    %get3A_2 = vector.load %arg2[%get3A, %get3A_0, %get3A_1] : memref<2x10000x8xf32, #tpu.memory_space<vmem>>, vector<1x10000x1xf32>
    %get3A_3 = vector.shape_cast %get3A_2 : vector<1x10000x1xf32> to vector<10000x1xf32>
    %get3A_4 = arith.constant 1 : index
    %get3A_5 = arith.constant 0 : index
    %get3A_6 = arith.constant 0 : index
    %get3A_7 = vector.load %arg2[%get3A_4, %get3A_5, %get3A_6] : memref<2x10000x8xf32, #tpu.memory_space<vmem>>, vector<1x10000x1xf32>
    %get3A_8 = vector.shape_cast %get3A_7 : vector<1x10000x1xf32> to vector<10000x1xf32>
    %add3A = arith.addf %get3A_3, %get3A_8 : vector<10000x1xf32>
    %add3A_9 = arith.constant 1.000000e+00 : f32
    %add3A_10 = vector.broadcast %add3A_9 : f32 to vector<10000x1xf32>
    %add3A_11 = arith.addf %add3A, %add3A_10 : vector<10000x1xf32>
    %rsqrt3A = math.rsqrt %add3A_11 : vector<10000x1xf32>
    %get3A_12 = arith.constant 0 : index
    %get3A_13 = arith.constant 0 : index
    %get3A_14 = vector.load %arg0[%get3A_12, %get3A_13] : memref<10000x128xf32, #tpu.memory_space<vmem>>, vector<10000x128xf32>
    %get3A_15 = arith.constant 0 : index
    %get3A_16 = arith.constant 0 : index
    %get3A_17 = vector.load %arg1[%get3A_15, %get3A_16] : memref<128x64xf32, #tpu.memory_space<vmem>>, vector<128x64xf32>
    %dot_general3A = arith.constant dense<0.000000e+00> : vector<10000x64xf32>
    %dot_general3A_18 = tpu.matmul %get3A_14, %get3A_17, %dot_general3A {dimension_numbers = #tpu.dot_dimension_numbers<[1], [0], [0], [1], [0, 0, 1, 1], [], []>, transpose_lhs_hint = false} : vector<10000x128xf32>, vector<128x64xf32>, vector<10000x64xf32> -> vector<10000x64xf32>
    %swap3A = arith.constant 0 : index
    %swap3A_19 = arith.constant 0 : index
    %swap3A_20 = vector.load %arg4[%swap3A, %swap3A_19] : memref<10000x1xf32, #tpu.memory_space<vmem>>, vector<10000x1xf32>
    tpu.vector_store %arg4[%swap3A, %swap3A_19], %rsqrt3A {strides = array<i32>} : memref<10000x1xf32, #tpu.memory_space<vmem>>, vector<10000x1xf32>,
    %mul3A = vector.broadcast %rsqrt3A : vector<10000x1xf32> to vector<10000x64xf32>
    %mul3A_21 = arith.mulf %dot_general3A_18, %mul3A : vector<10000x64xf32>
    %swap3A_22 = arith.constant 0 : index
    %swap3A_23 = arith.constant 0 : index
    %swap3A_24 = vector.load %arg3[%swap3A_22, %swap3A_23] : memref<10000x64xf32, #tpu.memory_space<vmem>>, vector<10000x64xf32>
    tpu.vector_store %arg3[%swap3A_22, %swap3A_23], %mul3A_21 {strides = array<i32>} : memref<10000x64xf32, #tpu.memory_space<vmem>>, vector<10000x64xf32>,
    return
  }
}

module attributes {stable_mosaic.version = 14 : i64} {
  func.func @_mid_body(%arg0: memref<2x10000x64xf32, #tpu.memory_space<vmem>>, %arg1: memref<10000x64xf32, #tpu.memory_space<vmem>>, %arg2: memref<10000x1xf32, #tpu.memory_space<vmem>>, %arg3: memref<1x64xf32, #tpu.memory_space<vmem>>, %arg4: memref<10000x64xf32, #tpu.memory_space<vmem>>) attributes {dimension_semantics = [], scalar_prefetch = 0 : i64, scratch_operands = 0 : i64, tpu.core_type = #tpu.core_type<tc>} {
    %get3A = arith.constant 0 : index
    %get3A_0 = arith.constant 0 : index
    %get3A_1 = vector.load %arg2[%get3A, %get3A_0] : memref<10000x1xf32, #tpu.memory_space<vmem>>, vector<10000x1xf32>
    %get3A_2 = arith.constant 0 : index
    %get3A_3 = arith.constant 0 : index
    %get3A_4 = arith.constant 0 : index
    %get3A_5 = vector.load %arg0[%get3A_2, %get3A_3, %get3A_4] : memref<2x10000x64xf32, #tpu.memory_space<vmem>>, vector<1x10000x64xf32>
    %get3A_6 = vector.shape_cast %get3A_5 : vector<1x10000x64xf32> to vector<10000x64xf32>
    %get3A_7 = arith.constant 1 : index
    %get3A_8 = arith.constant 0 : index
    %get3A_9 = arith.constant 0 : index
    %get3A_10 = vector.load %arg0[%get3A_7, %get3A_8, %get3A_9] : memref<2x10000x64xf32, #tpu.memory_space<vmem>>, vector<1x10000x64xf32>
    %get3A_11 = vector.shape_cast %get3A_10 : vector<1x10000x64xf32> to vector<10000x64xf32>
    %add3A = arith.addf %get3A_6, %get3A_11 : vector<10000x64xf32>
    %get3A_12 = arith.constant 0 : index
    %get3A_13 = arith.constant 0 : index
    %get3A_14 = vector.load %arg1[%get3A_12, %get3A_13] : memref<10000x64xf32, #tpu.memory_space<vmem>>, vector<10000x64xf32>
    %add3A_15 = arith.addf %add3A, %get3A_14 : vector<10000x64xf32>
    %mul3A = vector.broadcast %get3A_1 : vector<10000x1xf32> to vector<10000x64xf32>
    %mul3A_16 = arith.mulf %add3A_15, %mul3A : vector<10000x64xf32>
    %get3A_17 = arith.constant 0 : index
    %get3A_18 = arith.constant 0 : index
    %get3A_19 = vector.load %arg3[%get3A_17, %get3A_18] : memref<1x64xf32, #tpu.memory_space<vmem>>, vector<1x64xf32>
    %add3A_20 = vector.broadcast %get3A_19 : vector<1x64xf32> to vector<10000x64xf32>
    %add3A_21 = arith.addf %mul3A_16, %add3A_20 : vector<10000x64xf32>
    %max3A = arith.constant 0.000000e+00 : f32
    %max3A_22 = vector.broadcast %max3A : f32 to vector<10000x64xf32>
    %max3A_23 = arith.maximumf %add3A_21, %max3A_22 : vector<10000x64xf32>
    %mul3A_24 = vector.broadcast %get3A_1 : vector<10000x1xf32> to vector<10000x64xf32>
    %mul3A_25 = arith.mulf %max3A_23, %mul3A_24 : vector<10000x64xf32>
    %swap3A = arith.constant 0 : index
    %swap3A_26 = arith.constant 0 : index
    %swap3A_27 = vector.load %arg4[%swap3A, %swap3A_26] : memref<10000x64xf32, #tpu.memory_space<vmem>>, vector<10000x64xf32>
    tpu.vector_store %arg4[%swap3A, %swap3A_26], %mul3A_25 {strides = array<i32>} : memref<10000x64xf32, #tpu.memory_space<vmem>>, vector<10000x64xf32>,
    return
  }
}

module attributes {stable_mosaic.version = 14 : i64} {
  func.func @_post_body(%arg0: memref<2x10000x64xf32, #tpu.memory_space<vmem>>, %arg1: memref<10000x64xf32, #tpu.memory_space<vmem>>, %arg2: memref<10000x1xf32, #tpu.memory_space<vmem>>, %arg3: memref<64x128xf32, #tpu.memory_space<vmem>>, %arg4: memref<1x128xf32, #tpu.memory_space<vmem>>, %arg5: memref<10000x128xf32, #tpu.memory_space<vmem>>) attributes {dimension_semantics = [], scalar_prefetch = 0 : i64, scratch_operands = 0 : i64, tpu.core_type = #tpu.core_type<tc>} {
    %get3A = arith.constant 0 : index
    %get3A_0 = arith.constant 0 : index
    %get3A_1 = arith.constant 0 : index
    %get3A_2 = vector.load %arg0[%get3A, %get3A_0, %get3A_1] : memref<2x10000x64xf32, #tpu.memory_space<vmem>>, vector<1x10000x64xf32>
    %get3A_3 = vector.shape_cast %get3A_2 : vector<1x10000x64xf32> to vector<10000x64xf32>
    %get3A_4 = arith.constant 1 : index
    %get3A_5 = arith.constant 0 : index
    %get3A_6 = arith.constant 0 : index
    %get3A_7 = vector.load %arg0[%get3A_4, %get3A_5, %get3A_6] : memref<2x10000x64xf32, #tpu.memory_space<vmem>>, vector<1x10000x64xf32>
    %get3A_8 = vector.shape_cast %get3A_7 : vector<1x10000x64xf32> to vector<10000x64xf32>
    %add3A = arith.addf %get3A_3, %get3A_8 : vector<10000x64xf32>
    %get3A_9 = arith.constant 0 : index
    %get3A_10 = arith.constant 0 : index
    %get3A_11 = vector.load %arg1[%get3A_9, %get3A_10] : memref<10000x64xf32, #tpu.memory_space<vmem>>, vector<10000x64xf32>
    %add3A_12 = arith.addf %add3A, %get3A_11 : vector<10000x64xf32>
    %get3A_13 = arith.constant 0 : index
    %get3A_14 = arith.constant 0 : index
    %get3A_15 = vector.load %arg2[%get3A_13, %get3A_14] : memref<10000x1xf32, #tpu.memory_space<vmem>>, vector<10000x1xf32>
    %mul3A = vector.broadcast %get3A_15 : vector<10000x1xf32> to vector<10000x64xf32>
    %mul3A_16 = arith.mulf %add3A_12, %mul3A : vector<10000x64xf32>
    %get3A_17 = arith.constant 0 : index
    %get3A_18 = arith.constant 0 : index
    %get3A_19 = vector.load %arg3[%get3A_17, %get3A_18] : memref<64x128xf32, #tpu.memory_space<vmem>>, vector<64x128xf32>
    %dot_general3A = arith.constant dense<0.000000e+00> : vector<10000x128xf32>
    %dot_general3A_20 = tpu.matmul %mul3A_16, %get3A_19, %dot_general3A {dimension_numbers = #tpu.dot_dimension_numbers<[1], [0], [0], [1], [0, 0, 1, 1], [], []>, transpose_lhs_hint = false} : vector<10000x64xf32>, vector<64x128xf32>, vector<10000x128xf32> -> vector<10000x128xf32>
    %get3A_21 = arith.constant 0 : index
    %get3A_22 = arith.constant 0 : index
    %get3A_23 = vector.load %arg4[%get3A_21, %get3A_22] : memref<1x128xf32, #tpu.memory_space<vmem>>, vector<1x128xf32>
    %add3A_24 = vector.broadcast %get3A_23 : vector<1x128xf32> to vector<10000x128xf32>
    %add3A_25 = arith.addf %dot_general3A_20, %add3A_24 : vector<10000x128xf32>
    %swap3A = arith.constant 0 : index
    %swap3A_26 = arith.constant 0 : index
    %swap3A_27 = vector.load %arg5[%swap3A, %swap3A_26] : memref<10000x128xf32, #tpu.memory_space<vmem>>, vector<10000x128xf32>
    tpu.vector_store %arg5[%swap3A, %swap3A_26], %add3A_25 {strides = array<i32>} : memref<10000x128xf32, #tpu.memory_space<vmem>>, vector<10000x128xf32>,
    return
  }
}

</mosaic_0001>

<sc_bundles>
// kernel: kernel.11.cloned.1.call-start
scs
__scs_entry_jumppad:
0x0: {  	(pc) =	sbr.rel $0x88, $3  }
0x1: {  	(tag) =	ssettag $0x0;
	lr =	simm.s32 $0x1  }
0x2: {  	[smem:$0x3F9B] =	sst lr;
	_ =	strace $0xD0000000  }
0x3: {  	_ = 	snop  }
0x4: {  	_ = 	snop  }
0x5: {  	_ = 	snop  }
0x6: {  	_ = 	snop  }
0x7: {  	_ = 	snop  }
__scs_overlays_trampoline_lowered:
0x8: {  	[smem:$0x3FAA] =	sst s0  }
0x9: {  	[smem:$0x3FAB] =	sst s1  }
0xa: {  	[smem:$0x3FAC] =	sst s2  }
0xb: {  	[smem:$0x3FAD] =	sst s3  }
0xc: {  	[smem:$0x3FAE] =	sst s4  }
0xd: {  	[smem:$0x3FAF] =	sst s5  }
0xe: {  	[smem:$0x3FB0] =	sst s6  }
0xf: {  	[smem:$0x3FB1] =	sst s7  }
0x10: {  	[smem:$0x3FB2] =	sst s8  }
0x11: {  	[smem:$0x3FB3] =	sst s9;
	s0 =	simm.s32 @!p0 $0x0  }
0x12: {  	s1 =	sld [smem:$0x3F99];
	s0 =	simm.s32 @p0 $0x1  }
0x13: {  	[smem:$0x3FB4] =	sst s0;
	s0 =	simm.s32 @!p1 $0x0  }
0x14: {  	s2 =	sld [smem:$0x3F98];
	s0 =	simm.s32 @p1 $0x1  }
0x15: {  	[smem:$0x3FB5] =	sst s0;
	s0 =	simm.s32 @!p2 $0x0  }
0x16: {  	s3 =	sld [smem:$0x3FDB];
	s0 =	simm.s32 @p2 $0x1  }
0x17: {  	s4 =	simm.s32 $0x1BF5;
	[smem:$0x3FB7] =	sst s0  }
0x18: {  	s0 =	sld [smem:$0x3F9A];
	_ =	swait.ge [sflag:s4], $0x0  }
0x19: {  	s7 =	sld [smem:$0x3F9B]  }
0x1a: {  	s8 =	sadd.s32 $0xFFFFE003, lr  }
0x1b: {  	s9 =	sadd.s32 $0xFFFFFEF7, lr;
	s5 =	simm.s32 $0xFFFFFFFF;
	p2 =	slt.u32 s8, $0xFFFFF086  }
0x1c: {  	p1 =	slt.u32 s9, $0xF7A;
	s5 =	simm.s32 @!p2 $0x0  }
0x1d: {  	s5 =	simm.s32 @p1 $0x1;
	p0 =	seq.s32 s7, s2  }
0x1e: {  	s7 =	smul.u32 @!p0 $0xF7A, s2;
	p2 =	seq.s32 @!p0 s5, $0x0  }
0x1f: {  	s9 =	smul.u32 $0xF7A, s1;
	s8 =	simm.s32 @!p0 $0x1BF5;
	p2 =	por !p2, p0  }
0x20: {  	[sflag:s8] =	ssyncset.s32 @!p0 $0xFFFFF086;
	s6 =	sadd.s32 @!p0 s3, s7;
	s7 =	simm.s32 @!p0 $0x108  }
0x21: {  	s3 =	sadd.s32 s3, s9;
	s6 =	sadd.s32 @!p0 $0x88, s6;
	s7 =	simm.s32 @p2 $0x1082  }
0x22: {  	[simem:s7], [sflag:s8] =	dma.local @!p0 [hbm:s6], $0xF7A  }
0x23: {  	s9 =	sor.u32 $0xD0000000, s2;
	s6 =	simm.s32 $0x108;
	_ =	swait.ge @!p0 [sflag:s8], $0x0  }
0x24: {  	s3 =	sadd.s32 $0x88, s3;
	s6 =	simm.s32 @!p1 $0x1082;
	[sflag:s4] =	ssyncset.s32 $0xFFFFF086  }
0x25: {  	[simem:s6], [sflag:s4] =	dma.local [hbm:s3], $0xF7A  }
0x26: {  	[smem:$0x3F9B] =	sst s1;
	(tag) =	ssettag s2;
	_ =	strace s9  }
0x27: {  	s1 =	sld [smem:$0x3FAB]  }
0x28: {  	s2 =	sld [smem:$0x3FAC]  }
0x29: {  	s4 =	sld [smem:$0x3FAE]  }
0x2a: {  	p0 =	seq.s32 s5, $0x0;
	s5 =	sld [smem:$0x3FAF]  }
0x2b: {  	s6 =	sld [smem:$0x3FB0]  }
0x2c: {  	s7 =	sld [smem:$0x3FB1]  }
0x2d: {  	s3 =	simm.s32 $0x108;
	s8 =	sld [smem:$0x3FB2]  }
0x2e: {  	s3 =	simm.s32 @!p0 $0x1082;
	s9 =	sld [smem:$0x3FB3]  }
0x2f: {  	lr =	sadd.s32 s0, s3;
	s0 =	sld [smem:$0x3FAA]  }
0x30: {  	s3 =	sld [smem:$0x3FAD]  }
0x31: {  	[smem:$0x3FB6] =	sst s10  }
0x32: {  	s10 =	sld [smem:$0x3FB4];
	_ =	sdelay $0x3  }
0x33: {  	p0 =	seq.s32 s10, $0x1;
	s10 =	sld [smem:$0x3FB6];
	_ =	sdelay $0x3  }
0x34: {  	[smem:$0x3FB6] =	sst s10  }
0x35: {  	s10 =	sld [smem:$0x3FB5];
	_ =	sdelay $0x3  }
0x36: {  	p1 =	seq.s32 s10, $0x1;
	s10 =	sld [smem:$0x3FB6];
	_ =	sdelay $0x3  }
0x37: {  	[smem:$0x3FB6] =	sst s10  }
0x38: {  	s10 =	sld [smem:$0x3FB7]  }
0x39: {  	_ = 	snop;
	(pc) =	sbr.ind lr, $3  }
0x3a: {  	_ = 	snop  }
0x3b: {  	_ = 	snop  }
0x3c: {  	p2 =	seq.s32 s10, $0x1;
	s10 =	sld [smem:$0x3FB6]  }
0x3d: {  	_ =	shalt  }
0x3e: {  	_ =	shalt  }
0x3f: {  	_ =	shalt  }
0x40: {  	_ =	shalt  }
0x41: {  	_ =	shalt  }
0x42: {  	_ =	shalt  }
0x43: {  	_ =	shalt  }
0x44: {  	_ =	shalt  }
0x45: {  	_ =	shalt  }
0x46: {  	_ =	shalt  }
0x47: {  	_ =	shalt  }
0x48: {  	_ =	shalt  }
0x49: {  	_ =	shalt  }
0x4a: {  	_ =	shalt  }
0x4b: {  	_ =	shalt  }
0x4c: {  	_ =	shalt  }
0x4d: {  	_ =	shalt  }
0x4e: {  	_ =	shalt  }
0x4f: {  	_ =	shalt  }
0x50: {  	_ =	shalt  }
0x51: {  	_ =	shalt  }
0x52: {  	_ =	shalt  }
0x53: {  	_ =	shalt  }
0x54: {  	_ =	shalt  }
0x55: {  	_ =	shalt  }
0x56: {  	_ =	shalt  }
0x57: {  	_ =	shalt  }
0x58: {  	_ =	shalt  }
0x59: {  	_ =	shalt  }
0x5a: {  	_ =	shalt  }
0x5b: {  	_ =	shalt  }
0x5c: {  	_ =	shalt  }
0x5d: {  	_ =	shalt  }
0x5e: {  	_ =	shalt  }
0x5f: {  	_ =	shalt  }
0x60: {  	_ =	shalt  }
0x61: {  	_ =	shalt  }
0x62: {  	_ =	shalt  }
0x63: {  	_ =	shalt  }
0x64: {  	_ =	shalt  }
0x65: {  	_ =	shalt  }
0x66: {  	_ =	shalt  }
0x67: {  	_ =	shalt  }
0x68: {  	_ =	shalt  }
0x69: {  	_ =	shalt  }
0x6a: {  	_ =	shalt  }
0x6b: {  	_ =	shalt  }
0x6c: {  	_ =	shalt  }
0x6d: {  	_ =	shalt  }
0x6e: {  	_ =	shalt  }
0x6f: {  	_ =	shalt  }
0x70: {  	_ =	shalt  }
0x71: {  	_ =	shalt  }
0x72: {  	_ =	shalt  }
0x73: {  	_ =	shalt  }
0x74: {  	_ =	shalt  }
0x75: {  	_ =	shalt  }
0x76: {  	_ =	shalt  }
0x77: {  	_ =	shalt  }
0x78: {  	_ =	shalt  }
0x79: {  	_ =	shalt  }
0x7a: {  	_ =	shalt  }
0x7b: {  	_ =	shalt  }
0x7c: {  	_ =	shalt  }
0x7d: {  	_ =	shalt  }
0x7e: {  	_ =	shalt  }
0x7f: {  	_ =	shalt  }
0x80: {  	_ =	shalt  }
0x81: {  	_ =	shalt  }
0x82: {  	_ =	shalt  }
0x83: {  	_ =	shalt  }
0x84: {  	_ =	shalt  }
0x85: {  	_ =	shalt  }
0x86: {  	_ =	shalt  }
0x87: {  	_ =	shalt  }
.Lfunc_end0:
.L_simem_size_0:
called_computation.1_lowered:
.L_overlay_start_0:
0x88: {  	s2 =	sld [smem:$0x3FD9]  }
0x89: {  	s3 =	sld [smem:$0x3FFE];
	_ =	sdelay $0x1  }
0x8a: {  	s1 =	srdreg.scid  }
0x8b: {  	s0 =	sand.u32 $0x1, s1  }
0x8c: {  	s17 =	sshll.u32 s0, $0xA;
	s2 =	sadd.s32 s3, s2  }
0x8d: {  	s2 =	sadd.s32 s2, s17  }
0x8e: {  	[smem:$0x3FC2] =	sst s2  }
0x8f: {  	_ = 	snop  }
0x90: {  	s2 =	sld [smem:$0x3FD0];
	(tm) =	ssettm $0x1  }
0x91: {  	s18 =	sld [smem:$0x3FFB];
	_ =	sdelay $0x3  }
0x92: {  	_ =	strace s18  }
0x93: {  	s3 =	sld [smem:$0x3FFC];
	_ =	sdelay $0x3  }
0x94: {  	_ =	strace s3  }
0x95: {  	s3 =	sld [smem:$0x3FFD];
	_ =	sdelay $0x3  }
0x96: {  	_ =	strace s3  }
0x97: {  	_ =	strace $0x8FFFFFFF  }
0x98: {  	s19 =	sld [smem:$0x3FDB];
	_ =	sdelay $0x1  }
0x99: {  	s4 =	simm.s32 $_scs_section_size  }
0x9a: {  	s5 =	simm.s32 $_size__tile_overlayer_lowered;
	s6 =	simm.s32 $_tile_overlayer_lowered  }
0x9b: {  	s22 =	simm.s32 $0x1BFF;
	s21 =	sshll.u32 s6, $0x1;
	s3 =	sadd.s32 s4, s19  }
0x9c: {  	s7 =	simm.s32 $0x0;
	s20 =	sshll.u32 s5, $0x1;
	s5 =	sadd.s32 s21, s3  }
0x9d: {  	[timem:s7], [sflag:s22] =	dma.local [hbm:s5], s20  }
0x9e: {  	_ =	swait.ge [sflag:s22], s20  }
0x9f: {  	s4 =	ssub.s32 $0x0, s20;
	[sflag:s22] =	ssyncset.done $0x0  }
0xa0: {  	[sflag:s22] =	ssyncadd.s32 s4;
	_ =	sdelay $0x1  }
0xa1: {  	s23 =	simm.s32 $0x1B8B  }
0xa2: {  	_ =	swait.ge [sflag:s23], $0x1  }
0xa3: {  	[sflag:s23] =	ssyncset.done $0x0  }
0xa4: {  	s25 =	simm.s32 $0x1B8E;
	s24 =	sld [smem:$0x3FFE];
	[sflag:s23] =	ssyncadd.s32 $0xFFFFFFFF  }
0xa5: {  	s26 =	simm.s32 $execute0_lowered;
	[smem:$0x3FD2] =	sst s25  }
0xa6: {  	s5 =	sshll.u32 s26, $0x1;
	_ =	strace $0x80000049;
	[dreg:$0x1] =	wrdreg $0xFFFFFFFF  }
0xa7: {  	s28 =	simm.s32 $_size_execute0_lowered;
	s3 =	sadd.s32 s3, s5;
	[dreg:$0x0] =	wrdreg $0x0  }
0xa8: {  	s5 =	sshll.u32 s28, $0x1;
	[dreg:$0x2] =	wrdreg s3  }
0xa9: {  	[dreg:$0x3] =	wrdreg s5  }
0xaa: {  	[dreg:$0x4] =	wrdreg $0xC0  }
0xab: {  	_ =	task [dreg:s7], $0x5FFFF  }
0xac: {  	[dreg:$0x1] =	wrdreg $0xFFFFFFFF  }
0xad: {  	[dreg:$0x0] =	wrdreg $0x60  }
0xae: {  	[dreg:$0x2] =	wrdreg s24  }
0xaf: {  	[dreg:$0x3] =	wrdreg s2  }
0xb0: {  	[dreg:$0x4] =	wrdreg $0x14A00  }
0xb1: {  	[dreg:$0x5] =	wrdreg $0x9  }
0xb2: {  	_ =	task.clear_ibuf [dreg:s7], $0x6FFFF;
	_ =	strace $0x90000049  }
0xb3: {  	s29 =	simm.s32 $0x9;
	_ =	strace $0x8000004B  }
0xb4: {  	_ =	swait.ge [sflag:s29], $0x1  }
0xb5: {  	[sflag:s29] =	ssyncadd.s32 $0xFFFFFFFF  }
0xb6: {  	_ =	strace $0x9000004B  }
0xb7: {  	_ =	sfence  }
0xb8: {  	s30 =	sld [smem:$0x0];
	_ =	sdelay $0x2  }
0xb9: {  	s31 =	sshll.u32 s1, $0xD;
	s1 =	sshrl.u32 s1, $0x2  }
0xba: {  	s3 =	sand.u32 $0x4000, s31;
	s1 =	sadd.s32 s1, s30  }
0xbb: {  	s0 =	sor.u32 s3, s0;
	s1 =	sshll.u32 s1, $0x11  }
0xbc: {  	s0 =	sor.u32 s1, s0  }
0xbd: {  	s0 =	sadd.s32 $0x8F2B, s0  }
0xbe: {  	[sflag:s0] =	ssyncadd.remote.s32 $0x1  }
0xbf: {  	_ =	sfence.sel $0xFFFF  }
0xc0: {  	[dreg:$0x0] =	wrdreg $0xFFFFFFFF;
	(pc) =	sbr.abs _section_cstart, $3  }
0xc1: {  	[dreg:$0x1] =	wrdreg $0xFFFFFFFF  }
0xc2: {  	_ =	task.clear_ibuf [dreg:s7], $0x2FFFF;
	_ =	strace $0x9FFFFFFF  }
0xc3: {  	(tm) =	ssettm $0x7FFFFFFF  }
tec
execute0_lowered:
.L_overlay_start_1:
0x0: {  	(tag) =	ssettag $0x1  }
0x1: {  	s5 =	rddreg [dreg:$0x0]  }
0x2: {  	s7 =	rddreg [dreg:$0x1]  }
0x3: {  	s0 =	srdreg.scid;
	s2 =	rddreg [dreg:$0x2]  }
0x4: {  	s1 =	rddreg [dreg:$0x3];
	s3 =	simm.s32 $0x0;
	s6 =	sand.u32 $0x1, s0  }
0x5: {  	s13 =	simm.s32 $0x50;
	s0 =	stileid.u32;
	s4 =	smul.u32 $0x27100, s6  }
0x6: {  	s14 =	simm.s32 $0xA0;
	s15 =	simm.s32 $0x1;
	s8 =	smul.u32 $0x2710, s0  }
0x7: {  	s16 =	simm.s32 $0x0;
	[smem:$0x7FF] =	sst s3;
	s29 =	smul.u32 $0x9C40, s0  }
0x8: {  	_ =	strace $0x8000004A;
	s10 =	smul.u32 $0x9C400, s6;
	s6 =	ssub.s32 $0x2, s6  }
0x9: {  	s31 =	sshll.u32 s0, $0x6;
	s30 =	sshrl.u32 s6, $0x1;
	s4 =	sadd.s32 s8, s4  }
0xa: {  	s10 =	sadd.s32 s29, s10;
	s12 =	sadd.s32 s29, s2;
	s9 =	sshrl.u32 s4, $0x3  }
0xb: {  	s4 =	sadd.s32 $0x15200, s5;
	s10 =	sshrl.u32 s10, $0x3;
	s11 =	sadd.s32 s9, s5  }
0xc: {  	s5 =	sadd.s32 $0x28C00, s5;
	s9 =	ssub.s32 s6, s30;
	s6 =	sor.u32 $0x1C02, s31  }
0xd: {  	s7 =	sadd.s32 s7, s10;
	s8 =	smax.u32 s9, $0x1;
	s9 =	sadd.s32 $0xB400, s11  }
0xe: {  	s10 =	sadd.s32 $0x1600, s11;
	s11 =	sshrl.u32 s12, $0x3;
	s12 =	simm.s32 $0x2  }
.LBB2_1:
0xf: {  	[spmem:s11], [sflag:s6] =	dma.local [hbm:s5], $0x1388  }
0x10: {  	_ =	swait.ge [sflag:s12], $0x1388  }
0x11: {  	[sflag:s12] =	ssyncset.done $0x0  }
0x12: {  	[sflag:s12] =	ssyncadd.s32 $0xFFFFEC78  }
0x13: {  	s17 =	sadd.s32 $0x0, s10;
	[bflag:$0x0] =	sbarrier.arrive $0xFFFF  }
0x14: {  	[tilespmem:s3], [sflag:$0x2] =	stream.linear.gather [hbm4b:s17+s3], $0x50, $0x38;
	[tilespmem:$0xB0E0] =	vst v63  }
0x15: {  	_ =	swait.ge [sflag:s12], $0x50  }
0x16: {  	[sflag:s12] =	ssyncset.done $0x0  }
0x17: {  	s31 =	sadd.s32 $0x0, s9;
	[sflag:s12] =	ssyncadd.s32 $0xFFFFFFB0  }
0x18: {  	[tilespmem:s13], [sflag:$0x2] =	stream.linear.gather [hbm4b:s31+s3], $0x50, $0x38;
	[tilespmem:$0xB0E0] =	vst v63  }
0x19: {  	_ =	swait.ge [sflag:s12], $0x50  }
0x1a: {  	[sflag:s12] =	ssyncset.done $0x0  }
0x1b: {  	[sflag:s12] =	ssyncadd.s32 $0xFFFFFFB0  }
0x1c: {  	[tilespmem:s14], [sflag:$0x1] =	stream.indirect.gather [hbm4b:s4+s13], $0x40, s3, s13, $0xb8;
	[tilespmem:$0xB0E0] =	vst v63  }
0x1d: {  	_ =	swait.ge [sflag:s15], $0x1400  }
0x1e: {  	[sflag:s15] =	ssyncset.done $0x0  }
0x1f: {  	[sflag:s15] =	ssyncadd.s32 $0xFFFFEC00  }
0x20: {  	[spmem:s2] =	stream.indirect.scatter.add.f32 [tilespmem:s14], [sflag:$0x2], $0x40, s13, s13, $0xb8;
	[tilespmem:$0xB0E0] =	vst v63  }
0x21: {  	_ =	swait.ge [sflag:s12], $0x1400  }
0x22: {  	s18 =	simm.s32 $0x14;
	s17 =	simm.s32 $0xA;
	[sflag:s12] =	ssyncset.done $0x0  }
.LBB2_2:
0x23: {  	s19 =	sadd.s32 s17, s10  }
0x24: {  	[sflag:s12] =	ssyncadd.s32 $0xFFFFEC00;
	s20 =	smov.u32 s18;
	s21 =	sadd.s32 $0xA, s18  }
0x25: {  	[tilespmem:s3], [sflag:$0x2] =	stream.linear.gather [hbm4b:s19+s3], $0x50, $0x38;
	[tilespmem:$0xB0E0] =	vst v63  }
0x26: {  	p0 =	sne.s32 s18, $0x4D8;
	_ =	swait.ge [sflag:s12], $0x50  }
0x27: {  	[sflag:s12] =	ssyncset.done $0x0  }
0x28: {  	s18 =	sadd.s32 s17, s9;
	s17 =	smov.u32 s20;
	[sflag:s12] =	ssyncadd.s32 $0xFFFFFFB0  }
0x29: {  	[tilespmem:s13], [sflag:$0x2] =	stream.linear.gather [hbm4b:s18+s3], $0x50, $0x38;
	[tilespmem:$0xB0E0] =	vst v63  }
0x2a: {  	_ =	swait.ge [sflag:s12], $0x50  }
0x2b: {  	[sflag:s12] =	ssyncset.done $0x0  }
0x2c: {  	[sflag:s12] =	ssyncadd.s32 $0xFFFFFFB0  }
0x2d: {  	[tilespmem:s14], [sflag:$0x1] =	stream.indirect.gather [hbm4b:s4+s13], $0x40, s3, s13, $0xb8;
	[tilespmem:$0xB0E0] =	vst v63  }
0x2e: {  	_ =	swait.ge [sflag:s15], $0x1400  }
.Ltmp0:
0x2f: {  	[sflag:s15] =	ssyncset.done $0x0;
	(pc) =	sbr.rel @p0 .LBB2_2-.Ltmp0, $4  }
0x30: {  	[sflag:s15] =	ssyncadd.s32 $0xFFFFEC00  }
0x31: {  	[spmem:s2] =	stream.indirect.scatter.add.f32 [tilespmem:s14], [sflag:$0x2], $0x40, s13, s13, $0xb8;
	[tilespmem:$0xB0E0] =	vst v63  }
0x32: {  	_ =	swait.ge [sflag:s12], $0x1400  }
0x33: {  	s18 =	smov.u32 s21;
	[sflag:s12] =	ssyncset.done $0x0  }
0x34: {  	s18 =	sadd.s32 s17, s10;
	[sflag:s12] =	ssyncadd.s32 $0xFFFFEC00  }
0x35: {  	[tilespmem:s3], [sflag:$0x2] =	stream.linear.gather [hbm4b:s18+s3], $0x50, $0x38;
	[tilespmem:$0xB0E0] =	vst v63  }
0x36: {  	_ =	swait.ge [sflag:s12], $0x50  }
0x37: {  	[sflag:s12] =	ssyncset.done $0x0  }
0x38: {  	s31 =	sadd.s32 s17, s9;
	[sflag:s12] =	ssyncadd.s32 $0xFFFFFFB0  }
0x39: {  	[tilespmem:s13], [sflag:$0x2] =	stream.linear.gather [hbm4b:s31+s3], $0x50, $0x38;
	[tilespmem:$0xB0E0] =	vst v63  }
0x3a: {  	_ =	swait.ge [sflag:s12], $0x50  }
0x3b: {  	[sflag:s12] =	ssyncset.done $0x0  }
0x3c: {  	[sflag:s12] =	ssyncadd.s32 $0xFFFFFFB0  }
0x3d: {  	[tilespmem:s14], [sflag:$0x1] =	stream.indirect.gather [hbm4b:s4+s13], $0x40, s3, s13, $0xb8;
	[tilespmem:$0xB0E0] =	vst v63  }
0x3e: {  	_ =	swait.ge [sflag:s15], $0x1400  }
0x3f: {  	[sflag:s15] =	ssyncset.done $0x0  }
0x40: {  	[sflag:s15] =	ssyncadd.s32 $0xFFFFEC00  }
0x41: {  	[spmem:s2] =	stream.indirect.scatter.add.f32 [tilespmem:s14], [sflag:$0x2], $0x40, s13, s13, $0xb8;
	[tilespmem:$0xB0E0] =	vst v63  }
0x42: {  	_ =	swait.ge [sflag:s12], $0x1400  }
0x43: {  	s16 =	sadd.s32 $0x1, s16;
	[sflag:s12] =	ssyncset.done $0x0  }
0x44: {  	p0 =	sne.s32 s16, s8;
	[sflag:s12] =	ssyncadd.s32 $0xFFFFEC00  }
.Ltmp1:
0x45: {  	[bflag:$0x0] =	sbarrier.arrive $0xFFFF;
	(pc) =	sbr.rel @p0 .LBB2_1-.Ltmp1, $4  }
0x46: {  	[hbm:s7], [sflag:s6] =	dma.local [spmem:s11], $0x1388  }
0x47: {  	_ =	swait.ge [sflag:s12], $0x1388  }
0x48: {  	[sflag:s12] =	ssyncset.done $0x0  }
0x49: {  	[sflag:s12] =	ssyncadd.s32 $0xFFFFEC78  }
0x4a: {  	_ =	sfence.sel $0x180000  }
0x4b: {  	[bflag:$0x0] =	sbarrier.arrive $0xFFFF  }
0x4c: {  	p0 =	sne.s32 s0, $0x0;
	_ =	strace $0x9000004A  }
0x4d: {  	s0 =	sadd.s32 @!p0 $0x100000, s1;
	[bflag:$0x2] =	sbarrier.arrive $0xFFFF  }
0x4e: {  	[sflag:s0] =	ssyncadd.tile.s32 @!p0 $0x1;
	_ =	shalt  }
.Lfunc_end2:
_tile_overlayer_lowered:
.L_overlay_start_2:
0x4f: {  	(tag) =	ssettag $0x2  }
0x50: {  	s0 =	rddreg [dreg:$0x0];
	s2 =	stileid.u32  }
0x51: {  	s1 =	rddreg [dreg:$0x1];
	p0 =	sne.s32 s2, $0x0  }
0x52: {  	s3 =	rddreg [dreg:$0x2];
	[bflag:$0x3] =	sbarrier.arrive $0xFFFF;
	s2 =	simm.s32 @!p0 $0x1C02  }
0x53: {  	[timem:s3], [sflag:s2] =	dma.local @!p0 [hbm:s0], s1  }
0x54: {  	s0 =	simm.s32 @!p0 $0x2  }
0x55: {  	_ =	swait.ge @!p0 [sflag:s0], s1  }
0x56: {  	s1 =	ssub.s32 @!p0 $0x0, s1;
	[sflag:s0] =	ssyncset.done @!p0 $0x0  }
0x57: {  	[sflag:s0] =	ssyncadd.s32 @!p0 s1  }
0x58: {  	[bflag:$0x3] =	sbarrier.arrive $0xFFFF  }
0x59: {  	_ =	shalt  }

// kernel: kernel.14.cloned.1.call-start
scs
__scs_entry_jumppad:
0x0: {  	(pc) =	sbr.rel $0x88, $3  }
0x1: {  	(tag) =	ssettag $0x0;
	lr =	simm.s32 $0x1  }
0x2: {  	[smem:$0x3F9B] =	sst lr;
	_ =	strace $0xD0000000  }
0x3: {  	_ = 	snop  }
0x4: {  	_ = 	snop  }
0x5: {  	_ = 	snop  }
0x6: {  	_ = 	snop  }
0x7: {  	_ = 	snop  }
__scs_overlays_trampoline_lowered:
0x8: {  	[smem:$0x3FAA] =	sst s0  }
0x9: {  	[smem:$0x3FAB] =	sst s1  }
0xa: {  	[smem:$0x3FAC] =	sst s2  }
0xb: {  	[smem:$0x3FAD] =	sst s3  }
0xc: {  	[smem:$0x3FAE] =	sst s4  }
0xd: {  	[smem:$0x3FAF] =	sst s5  }
0xe: {  	[smem:$0x3FB0] =	sst s6  }
0xf: {  	[smem:$0x3FB1] =	sst s7  }
0x10: {  	[smem:$0x3FB2] =	sst s8  }
0x11: {  	[smem:$0x3FB3] =	sst s9;
	s0 =	simm.s32 @!p0 $0x0  }
0x12: {  	s1 =	sld [smem:$0x3F99];
	s0 =	simm.s32 @p0 $0x1  }
0x13: {  	[smem:$0x3FB4] =	sst s0;
	s0 =	simm.s32 @!p1 $0x0  }
0x14: {  	s2 =	sld [smem:$0x3F98];
	s0 =	simm.s32 @p1 $0x1  }
0x15: {  	[smem:$0x3FB5] =	sst s0;
	s0 =	simm.s32 @!p2 $0x0  }
0x16: {  	s3 =	sld [smem:$0x3FDB];
	s0 =	simm.s32 @p2 $0x1  }
0x17: {  	s4 =	simm.s32 $0x1BF5;
	[smem:$0x3FB7] =	sst s0  }
0x18: {  	s0 =	sld [smem:$0x3F9A];
	_ =	swait.ge [sflag:s4], $0x0  }
0x19: {  	s7 =	sld [smem:$0x3F9B]  }
0x1a: {  	s8 =	sadd.s32 $0xFFFFE003, lr  }
0x1b: {  	s9 =	sadd.s32 $0xFFFFFEF7, lr;
	s5 =	simm.s32 $0xFFFFFFFF;
	p2 =	slt.u32 s8, $0xFFFFF086  }
0x1c: {  	p1 =	slt.u32 s9, $0xF7A;
	s5 =	simm.s32 @!p2 $0x0  }
0x1d: {  	s5 =	simm.s32 @p1 $0x1;
	p0 =	seq.s32 s7, s2  }
0x1e: {  	s7 =	smul.u32 @!p0 $0xF7A, s2;
	p2 =	seq.s32 @!p0 s5, $0x0  }
0x1f: {  	s9 =	smul.u32 $0xF7A, s1;
	s8 =	simm.s32 @!p0 $0x1BF5;
	p2 =	por !p2, p0  }
0x20: {  	[sflag:s8] =	ssyncset.s32 @!p0 $0xFFFFF086;
	s6 =	sadd.s32 @!p0 s3, s7;
	s7 =	simm.s32 @!p0 $0x108  }
0x21: {  	s3 =	sadd.s32 s3, s9;
	s6 =	sadd.s32 @!p0 $0x88, s6;
	s7 =	simm.s32 @p2 $0x1082  }
0x22: {  	[simem:s7], [sflag:s8] =	dma.local @!p0 [hbm:s6], $0xF7A  }
0x23: {  	s9 =	sor.u32 $0xD0000000, s2;
	s6 =	simm.s32 $0x108;
	_ =	swait.ge @!p0 [sflag:s8], $0x0  }
0x24: {  	s3 =	sadd.s32 $0x88, s3;
	s6 =	simm.s32 @!p1 $0x1082;
	[sflag:s4] =	ssyncset.s32 $0xFFFFF086  }
0x25: {  	[simem:s6], [sflag:s4] =	dma.local [hbm:s3], $0xF7A  }
0x26: {  	[smem:$0x3F9B] =	sst s1;
	(tag) =	ssettag s2;
	_ =	strace s9  }
0x27: {  	s1 =	sld [smem:$0x3FAB]  }
0x28: {  	s2 =	sld [smem:$0x3FAC]  }
0x29: {  	s4 =	sld [smem:$0x3FAE]  }
0x2a: {  	p0 =	seq.s32 s5, $0x0;
	s5 =	sld [smem:$0x3FAF]  }
0x2b: {  	s6 =	sld [smem:$0x3FB0]  }
0x2c: {  	s7 =	sld [smem:$0x3FB1]  }
0x2d: {  	s3 =	simm.s32 $0x108;
	s8 =	sld [smem:$0x3FB2]  }
0x2e: {  	s3 =	simm.s32 @!p0 $0x1082;
	s9 =	sld [smem:$0x3FB3]  }
0x2f: {  	lr =	sadd.s32 s0, s3;
	s0 =	sld [smem:$0x3FAA]  }
0x30: {  	s3 =	sld [smem:$0x3FAD]  }
0x31: {  	[smem:$0x3FB6] =	sst s10  }
0x32: {  	s10 =	sld [smem:$0x3FB4];
	_ =	sdelay $0x3  }
0x33: {  	p0 =	seq.s32 s10, $0x1;
	s10 =	sld [smem:$0x3FB6];
	_ =	sdelay $0x3  }
0x34: {  	[smem:$0x3FB6] =	sst s10  }
0x35: {  	s10 =	sld [smem:$0x3FB5];
	_ =	sdelay $0x3  }
0x36: {  	p1 =	seq.s32 s10, $0x1;
	s10 =	sld [smem:$0x3FB6];
	_ =	sdelay $0x3  }
0x37: {  	[smem:$0x3FB6] =	sst s10  }
0x38: {  	s10 =	sld [smem:$0x3FB7]  }
0x39: {  	_ = 	snop;
	(pc) =	sbr.ind lr, $3  }
0x3a: {  	_ = 	snop  }
0x3b: {  	_ = 	snop  }
0x3c: {  	p2 =	seq.s32 s10, $0x1;
	s10 =	sld [smem:$0x3FB6]  }
0x3d: {  	_ =	shalt  }
0x3e: {  	_ =	shalt  }
0x3f: {  	_ =	shalt  }
0x40: {  	_ =	shalt  }
0x41: {  	_ =	shalt  }
0x42: {  	_ =	shalt  }
0x43: {  	_ =	shalt  }
0x44: {  	_ =	shalt  }
0x45: {  	_ =	shalt  }
0x46: {  	_ =	shalt  }
0x47: {  	_ =	shalt  }
0x48: {  	_ =	shalt  }
0x49: {  	_ =	shalt  }
0x4a: {  	_ =	shalt  }
0x4b: {  	_ =	shalt  }
0x4c: {  	_ =	shalt  }
0x4d: {  	_ =	shalt  }
0x4e: {  	_ =	shalt  }
0x4f: {  	_ =	shalt  }
0x50: {  	_ =	shalt  }
0x51: {  	_ =	shalt  }
0x52: {  	_ =	shalt  }
0x53: {  	_ =	shalt  }
0x54: {  	_ =	shalt  }
0x55: {  	_ =	shalt  }
0x56: {  	_ =	shalt  }
0x57: {  	_ =	shalt  }
0x58: {  	_ =	shalt  }
0x59: {  	_ =	shalt  }
0x5a: {  	_ =	shalt  }
0x5b: {  	_ =	shalt  }
0x5c: {  	_ =	shalt  }
0x5d: {  	_ =	shalt  }
0x5e: {  	_ =	shalt  }
0x5f: {  	_ =	shalt  }
0x60: {  	_ =	shalt  }
0x61: {  	_ =	shalt  }
0x62: {  	_ =	shalt  }
0x63: {  	_ =	shalt  }
0x64: {  	_ =	shalt  }
0x65: {  	_ =	shalt  }
0x66: {  	_ =	shalt  }
0x67: {  	_ =	shalt  }
0x68: {  	_ =	shalt  }
0x69: {  	_ =	shalt  }
0x6a: {  	_ =	shalt  }
0x6b: {  	_ =	shalt  }
0x6c: {  	_ =	shalt  }
0x6d: {  	_ =	shalt  }
0x6e: {  	_ =	shalt  }
0x6f: {  	_ =	shalt  }
0x70: {  	_ =	shalt  }
0x71: {  	_ =	shalt  }
0x72: {  	_ =	shalt  }
0x73: {  	_ =	shalt  }
0x74: {  	_ =	shalt  }
0x75: {  	_ =	shalt  }
0x76: {  	_ =	shalt  }
0x77: {  	_ =	shalt  }
0x78: {  	_ =	shalt  }
0x79: {  	_ =	shalt  }
0x7a: {  	_ =	shalt  }
0x7b: {  	_ =	shalt  }
0x7c: {  	_ =	shalt  }
0x7d: {  	_ =	shalt  }
0x7e: {  	_ =	shalt  }
0x7f: {  	_ =	shalt  }
0x80: {  	_ =	shalt  }
0x81: {  	_ =	shalt  }
0x82: {  	_ =	shalt  }
0x83: {  	_ =	shalt  }
0x84: {  	_ =	shalt  }
0x85: {  	_ =	shalt  }
0x86: {  	_ =	shalt  }
0x87: {  	_ =	shalt  }
.Lfunc_end0:
.L_simem_size_0:
called_computation.2_lowered:
.L_overlay_start_0:
0x88: {  	s2 =	sld [smem:$0x3FD9]  }
0x89: {  	s3 =	sld [smem:$0x3FFE];
	_ =	sdelay $0x1  }
0x8a: {  	s1 =	srdreg.scid  }
0x8b: {  	s0 =	sand.u32 $0x1, s1  }
0x8c: {  	s17 =	sshll.u32 s0, $0xA;
	s2 =	sadd.s32 s3, s2  }
0x8d: {  	s2 =	sadd.s32 s2, s17  }
0x8e: {  	[smem:$0x3FC2] =	sst s2  }
0x8f: {  	_ = 	snop  }
0x90: {  	s2 =	sld [smem:$0x3FD0];
	(tm) =	ssettm $0x1  }
0x91: {  	s18 =	sld [smem:$0x3FFB];
	_ =	sdelay $0x3  }
0x92: {  	_ =	strace s18  }
0x93: {  	s3 =	sld [smem:$0x3FFC];
	_ =	sdelay $0x3  }
0x94: {  	_ =	strace s3  }
0x95: {  	s3 =	sld [smem:$0x3FFD];
	_ =	sdelay $0x3  }
0x96: {  	_ =	strace s3  }
0x97: {  	_ =	strace $0x8FFFFFFF  }
0x98: {  	s19 =	sld [smem:$0x3FDB];
	_ =	sdelay $0x1  }
0x99: {  	s4 =	simm.s32 $_scs_section_size  }
0x9a: {  	s5 =	simm.s32 $_size__tile_overlayer_lowered;
	s6 =	simm.s32 $_tile_overlayer_lowered  }
0x9b: {  	s22 =	simm.s32 $0x1BFF;
	s21 =	sshll.u32 s6, $0x1;
	s3 =	sadd.s32 s4, s19  }
0x9c: {  	s7 =	simm.s32 $0x0;
	s20 =	sshll.u32 s5, $0x1;
	s5 =	sadd.s32 s21, s3  }
0x9d: {  	[timem:s7], [sflag:s22] =	dma.local [hbm:s5], s20  }
0x9e: {  	_ =	swait.ge [sflag:s22], s20  }
0x9f: {  	s4 =	ssub.s32 $0x0, s20;
	[sflag:s22] =	ssyncset.done $0x0  }
0xa0: {  	[sflag:s22] =	ssyncadd.s32 s4;
	_ =	sdelay $0x1  }
0xa1: {  	s23 =	simm.s32 $0x1B8B  }
0xa2: {  	_ =	swait.ge [sflag:s23], $0x1  }
0xa3: {  	[sflag:s23] =	ssyncset.done $0x0  }
0xa4: {  	s25 =	simm.s32 $0x1B8E;
	s24 =	sld [smem:$0x3FFE];
	[sflag:s23] =	ssyncadd.s32 $0xFFFFFFFF  }
0xa5: {  	s26 =	simm.s32 $execute0_lowered;
	[smem:$0x3FD2] =	sst s25  }
0xa6: {  	s5 =	sshll.u32 s26, $0x1;
	_ =	strace $0x8000004C;
	[dreg:$0x1] =	wrdreg $0xFFFFFFFF  }
0xa7: {  	s28 =	simm.s32 $_size_execute0_lowered;
	s3 =	sadd.s32 s3, s5;
	[dreg:$0x0] =	wrdreg $0x0  }
0xa8: {  	s5 =	sshll.u32 s28, $0x1;
	[dreg:$0x2] =	wrdreg s3  }
0xa9: {  	[dreg:$0x3] =	wrdreg s5  }
0xaa: {  	[dreg:$0x4] =	wrdreg $0xC0  }
0xab: {  	_ =	task [dreg:s7], $0x5FFFF  }
0xac: {  	[dreg:$0x1] =	wrdreg $0xFFFFFFFF  }
0xad: {  	[dreg:$0x0] =	wrdreg $0x60  }
0xae: {  	[dreg:$0x2] =	wrdreg s24  }
0xaf: {  	[dreg:$0x3] =	wrdreg s2  }
0xb0: {  	[dreg:$0x4] =	wrdreg $0x14A00  }
0xb1: {  	[dreg:$0x5] =	wrdreg $0x9  }
0xb2: {  	_ =	task.clear_ibuf [dreg:s7], $0x6FFFF;
	_ =	strace $0x9000004C  }
0xb3: {  	s29 =	simm.s32 $0x9;
	_ =	strace $0x8000004E  }
0xb4: {  	_ =	swait.ge [sflag:s29], $0x1  }
0xb5: {  	[sflag:s29] =	ssyncadd.s32 $0xFFFFFFFF  }
0xb6: {  	_ =	strace $0x9000004E  }
0xb7: {  	_ =	sfence  }
0xb8: {  	s30 =	sld [smem:$0x0];
	_ =	sdelay $0x2  }
0xb9: {  	s31 =	sshll.u32 s1, $0xD;
	s1 =	sshrl.u32 s1, $0x2  }
0xba: {  	s3 =	sand.u32 $0x4000, s31;
	s1 =	sadd.s32 s1, s30  }
0xbb: {  	s0 =	sor.u32 s3, s0;
	s1 =	sshll.u32 s1, $0x11  }
0xbc: {  	s0 =	sor.u32 s1, s0  }
0xbd: {  	s0 =	sadd.s32 $0x8F2B, s0  }
0xbe: {  	[sflag:s0] =	ssyncadd.remote.s32 $0x1  }
0xbf: {  	_ =	sfence.sel $0xFFFF  }
0xc0: {  	[dreg:$0x0] =	wrdreg $0xFFFFFFFF;
	(pc) =	sbr.abs _section_cstart, $3  }
0xc1: {  	[dreg:$0x1] =	wrdreg $0xFFFFFFFF  }
0xc2: {  	_ =	task.clear_ibuf [dreg:s7], $0x2FFFF;
	_ =	strace $0x9FFFFFFF  }
0xc3: {  	(tm) =	ssettm $0x7FFFFFFF  }
tec
execute0_lowered:
.L_overlay_start_1:
0x0: {  	(tag) =	ssettag $0x1  }
0x1: {  	s5 =	rddreg [dreg:$0x0]  }
0x2: {  	s7 =	rddreg [dreg:$0x1]  }
0x3: {  	s0 =	srdreg.scid;
	s2 =	rddreg [dreg:$0x2]  }
0x4: {  	s1 =	rddreg [dreg:$0x3];
	s3 =	simm.s32 $0x0;
	s6 =	sand.u32 $0x1, s0  }
0x5: {  	s13 =	simm.s32 $0x50;
	s0 =	stileid.u32;
	s4 =	smul.u32 $0x27100, s6  }
0x6: {  	s14 =	simm.s32 $0xA0;
	s15 =	simm.s32 $0x1;
	s8 =	smul.u32 $0x2710, s0  }
0x7: {  	s16 =	simm.s32 $0x0;
	[smem:$0x7FF] =	sst s3;
	s29 =	smul.u32 $0x9C40, s0  }
0x8: {  	_ =	strace $0x8000004D;
	s10 =	smul.u32 $0x9C400, s6;
	s6 =	ssub.s32 $0x2, s6  }
0x9: {  	s31 =	sshll.u32 s0, $0x6;
	s30 =	sshrl.u32 s6, $0x1;
	s4 =	sadd.s32 s8, s4  }
0xa: {  	s10 =	sadd.s32 s29, s10;
	s12 =	sadd.s32 s29, s2;
	s9 =	sshrl.u32 s4, $0x3  }
0xb: {  	s4 =	sadd.s32 $0x15200, s5;
	s10 =	sshrl.u32 s10, $0x3;
	s11 =	sadd.s32 s9, s5  }
0xc: {  	s5 =	sadd.s32 $0x28C00, s5;
	s9 =	ssub.s32 s6, s30;
	s6 =	sor.u32 $0x1C02, s31  }
0xd: {  	s7 =	sadd.s32 s7, s10;
	s8 =	smax.u32 s9, $0x1;
	s9 =	sadd.s32 $0xB400, s11  }
0xe: {  	s10 =	sadd.s32 $0x1600, s11;
	s11 =	sshrl.u32 s12, $0x3;
	s12 =	simm.s32 $0x2  }
.LBB2_1:
0xf: {  	[spmem:s11], [sflag:s6] =	dma.local [hbm:s5], $0x1388  }
0x10: {  	_ =	swait.ge [sflag:s12], $0x1388  }
0x11: {  	[sflag:s12] =	ssyncset.done $0x0  }
0x12: {  	[sflag:s12] =	ssyncadd.s32 $0xFFFFEC78  }
0x13: {  	s17 =	sadd.s32 $0x0, s10;
	[bflag:$0x0] =	sbarrier.arrive $0xFFFF  }
0x14: {  	[tilespmem:s3], [sflag:$0x2] =	stream.linear.gather [hbm4b:s17+s3], $0x50, $0x38;
	[tilespmem:$0xB0E0] =	vst v63  }
0x15: {  	_ =	swait.ge [sflag:s12], $0x50  }
0x16: {  	[sflag:s12] =	ssyncset.done $0x0  }
0x17: {  	s31 =	sadd.s32 $0x0, s9;
	[sflag:s12] =	ssyncadd.s32 $0xFFFFFFB0  }
0x18: {  	[tilespmem:s13], [sflag:$0x2] =	stream.linear.gather [hbm4b:s31+s3], $0x50, $0x38;
	[tilespmem:$0xB0E0] =	vst v63  }
0x19: {  	_ =	swait.ge [sflag:s12], $0x50  }
0x1a: {  	[sflag:s12] =	ssyncset.done $0x0  }
0x1b: {  	[sflag:s12] =	ssyncadd.s32 $0xFFFFFFB0  }
0x1c: {  	[tilespmem:s14], [sflag:$0x1] =	stream.indirect.gather [hbm4b:s4+s13], $0x40, s3, s13, $0xb8;
	[tilespmem:$0xB0E0] =	vst v63  }
0x1d: {  	_ =	swait.ge [sflag:s15], $0x1400  }
0x1e: {  	[sflag:s15] =	ssyncset.done $0x0  }
0x1f: {  	[sflag:s15] =	ssyncadd.s32 $0xFFFFEC00  }
0x20: {  	[spmem:s2] =	stream.indirect.scatter.add.f32 [tilespmem:s14], [sflag:$0x2], $0x40, s13, s13, $0xb8;
	[tilespmem:$0xB0E0] =	vst v63  }
0x21: {  	_ =	swait.ge [sflag:s12], $0x1400  }
0x22: {  	s18 =	simm.s32 $0x14;
	s17 =	simm.s32 $0xA;
	[sflag:s12] =	ssyncset.done $0x0  }
.LBB2_2:
0x23: {  	s19 =	sadd.s32 s17, s10  }
0x24: {  	[sflag:s12] =	ssyncadd.s32 $0xFFFFEC00;
	s20 =	smov.u32 s18;
	s21 =	sadd.s32 $0xA, s18  }
0x25: {  	[tilespmem:s3], [sflag:$0x2] =	stream.linear.gather [hbm4b:s19+s3], $0x50, $0x38;
	[tilespmem:$0xB0E0] =	vst v63  }
0x26: {  	p0 =	sne.s32 s18, $0x4D8;
	_ =	swait.ge [sflag:s12], $0x50  }
0x27: {  	[sflag:s12] =	ssyncset.done $0x0  }
0x28: {  	s18 =	sadd.s32 s17, s9;
	s17 =	smov.u32 s20;
	[sflag:s12] =	ssyncadd.s32 $0xFFFFFFB0  }
0x29: {  	[tilespmem:s13], [sflag:$0x2] =	stream.linear.gather [hbm4b:s18+s3], $0x50, $0x38;
	[tilespmem:$0xB0E0] =	vst v63  }
0x2a: {  	_ =	swait.ge [sflag:s12], $0x50  }
0x2b: {  	[sflag:s12] =	ssyncset.done $0x0  }
0x2c: {  	[sflag:s12] =	ssyncadd.s32 $0xFFFFFFB0  }
0x2d: {  	[tilespmem:s14], [sflag:$0x1] =	stream.indirect.gather [hbm4b:s4+s13], $0x40, s3, s13, $0xb8;
	[tilespmem:$0xB0E0] =	vst v63  }
0x2e: {  	_ =	swait.ge [sflag:s15], $0x1400  }
.Ltmp0:
0x2f: {  	[sflag:s15] =	ssyncset.done $0x0;
	(pc) =	sbr.rel @p0 .LBB2_2-.Ltmp0, $4  }
0x30: {  	[sflag:s15] =	ssyncadd.s32 $0xFFFFEC00  }
0x31: {  	[spmem:s2] =	stream.indirect.scatter.add.f32 [tilespmem:s14], [sflag:$0x2], $0x40, s13, s13, $0xb8;
	[tilespmem:$0xB0E0] =	vst v63  }
0x32: {  	_ =	swait.ge [sflag:s12], $0x1400  }
0x33: {  	s18 =	smov.u32 s21;
	[sflag:s12] =	ssyncset.done $0x0  }
0x34: {  	s18 =	sadd.s32 s17, s10;
	[sflag:s12] =	ssyncadd.s32 $0xFFFFEC00  }
0x35: {  	[tilespmem:s3], [sflag:$0x2] =	stream.linear.gather [hbm4b:s18+s3], $0x50, $0x38;
	[tilespmem:$0xB0E0] =	vst v63  }
0x36: {  	_ =	swait.ge [sflag:s12], $0x50  }
0x37: {  	[sflag:s12] =	ssyncset.done $0x0  }
0x38: {  	s31 =	sadd.s32 s17, s9;
	[sflag:s12] =	ssyncadd.s32 $0xFFFFFFB0  }
0x39: {  	[tilespmem:s13], [sflag:$0x2] =	stream.linear.gather [hbm4b:s31+s3], $0x50, $0x38;
	[tilespmem:$0xB0E0] =	vst v63  }
0x3a: {  	_ =	swait.ge [sflag:s12], $0x50  }
0x3b: {  	[sflag:s12] =	ssyncset.done $0x0  }
0x3c: {  	[sflag:s12] =	ssyncadd.s32 $0xFFFFFFB0  }
0x3d: {  	[tilespmem:s14], [sflag:$0x1] =	stream.indirect.gather [hbm4b:s4+s13], $0x40, s3, s13, $0xb8;
	[tilespmem:$0xB0E0] =	vst v63  }
0x3e: {  	_ =	swait.ge [sflag:s15], $0x1400  }
0x3f: {  	[sflag:s15] =	ssyncset.done $0x0  }
0x40: {  	[sflag:s15] =	ssyncadd.s32 $0xFFFFEC00  }
0x41: {  	[spmem:s2] =	stream.indirect.scatter.add.f32 [tilespmem:s14], [sflag:$0x2], $0x40, s13, s13, $0xb8;
	[tilespmem:$0xB0E0] =	vst v63  }
0x42: {  	_ =	swait.ge [sflag:s12], $0x1400  }
0x43: {  	s16 =	sadd.s32 $0x1, s16;
	[sflag:s12] =	ssyncset.done $0x0  }
0x44: {  	p0 =	sne.s32 s16, s8;
	[sflag:s12] =	ssyncadd.s32 $0xFFFFEC00  }
.Ltmp1:
0x45: {  	[bflag:$0x0] =	sbarrier.arrive $0xFFFF;
	(pc) =	sbr.rel @p0 .LBB2_1-.Ltmp1, $4  }
0x46: {  	[hbm:s7], [sflag:s6] =	dma.local [spmem:s11], $0x1388  }
0x47: {  	_ =	swait.ge [sflag:s12], $0x1388  }
0x48: {  	[sflag:s12] =	ssyncset.done $0x0  }
0x49: {  	[sflag:s12] =	ssyncadd.s32 $0xFFFFEC78  }
0x4a: {  	_ =	sfence.sel $0x180000  }
0x4b: {  	[bflag:$0x0] =	sbarrier.arrive $0xFFFF  }
0x4c: {  	p0 =	sne.s32 s0, $0x0;
	_ =	strace $0x9000004D  }
0x4d: {  	s0 =	sadd.s32 @!p0 $0x100000, s1;
	[bflag:$0x2] =	sbarrier.arrive $0xFFFF  }
0x4e: {  	[sflag:s0] =	ssyncadd.tile.s32 @!p0 $0x1;
	_ =	shalt  }
.Lfunc_end2:
_tile_overlayer_lowered:
.L_overlay_start_2:
0x4f: {  	(tag) =	ssettag $0x2  }
0x50: {  	s0 =	rddreg [dreg:$0x0];
	s2 =	stileid.u32  }
0x51: {  	s1 =	rddreg [dreg:$0x1];
	p0 =	sne.s32 s2, $0x0  }
0x52: {  	s3 =	rddreg [dreg:$0x2];
	[bflag:$0x3] =	sbarrier.arrive $0xFFFF;
	s2 =	simm.s32 @!p0 $0x1C02  }
0x53: {  	[timem:s3], [sflag:s2] =	dma.local @!p0 [hbm:s0], s1  }
0x54: {  	s0 =	simm.s32 @!p0 $0x2  }
0x55: {  	_ =	swait.ge @!p0 [sflag:s0], s1  }
0x56: {  	s1 =	ssub.s32 @!p0 $0x0, s1;
	[sflag:s0] =	ssyncset.done @!p0 $0x0  }
0x57: {  	[sflag:s0] =	ssyncadd.s32 @!p0 s1  }
0x58: {  	[bflag:$0x3] =	sbarrier.arrive $0xFFFF  }
0x59: {  	_ =	shalt  }

// kernel: kernel.8.cloned.1.call-start
scs
__scs_entry_jumppad:
0x0: {  	(pc) =	sbr.rel $0x88, $3  }
0x1: {  	(tag) =	ssettag $0x0;
	lr =	simm.s32 $0x1  }
0x2: {  	[smem:$0x3F9B] =	sst lr;
	_ =	strace $0xD0000000  }
0x3: {  	_ = 	snop  }
0x4: {  	_ = 	snop  }
0x5: {  	_ = 	snop  }
0x6: {  	_ = 	snop  }
0x7: {  	_ = 	snop  }
__scs_overlays_trampoline_lowered:
0x8: {  	[smem:$0x3FAA] =	sst s0  }
0x9: {  	[smem:$0x3FAB] =	sst s1  }
0xa: {  	[smem:$0x3FAC] =	sst s2  }
0xb: {  	[smem:$0x3FAD] =	sst s3  }
0xc: {  	[smem:$0x3FAE] =	sst s4  }
0xd: {  	[smem:$0x3FAF] =	sst s5  }
0xe: {  	[smem:$0x3FB0] =	sst s6  }
0xf: {  	[smem:$0x3FB1] =	sst s7  }
0x10: {  	[smem:$0x3FB2] =	sst s8  }
0x11: {  	[smem:$0x3FB3] =	sst s9;
	s0 =	simm.s32 @!p0 $0x0  }
0x12: {  	s1 =	sld [smem:$0x3F99];
	s0 =	simm.s32 @p0 $0x1  }
0x13: {  	[smem:$0x3FB4] =	sst s0;
	s0 =	simm.s32 @!p1 $0x0  }
0x14: {  	s2 =	sld [smem:$0x3F98];
	s0 =	simm.s32 @p1 $0x1  }
0x15: {  	[smem:$0x3FB5] =	sst s0;
	s0 =	simm.s32 @!p2 $0x0  }
0x16: {  	s3 =	sld [smem:$0x3FDB];
	s0 =	simm.s32 @p2 $0x1  }
0x17: {  	s4 =	simm.s32 $0x1BF5;
	[smem:$0x3FB7] =	sst s0  }
0x18: {  	s0 =	sld [smem:$0x3F9A];
	_ =	swait.ge [sflag:s4], $0x0  }
0x19: {  	s7 =	sld [smem:$0x3F9B]  }
0x1a: {  	s8 =	sadd.s32 $0xFFFFE003, lr  }
0x1b: {  	s9 =	sadd.s32 $0xFFFFFEF7, lr;
	s5 =	simm.s32 $0xFFFFFFFF;
	p2 =	slt.u32 s8, $0xFFFFF086  }
0x1c: {  	p1 =	slt.u32 s9, $0xF7A;
	s5 =	simm.s32 @!p2 $0x0  }
0x1d: {  	s5 =	simm.s32 @p1 $0x1;
	p0 =	seq.s32 s7, s2  }
0x1e: {  	s7 =	smul.u32 @!p0 $0xF7A, s2;
	p2 =	seq.s32 @!p0 s5, $0x0  }
0x1f: {  	s9 =	smul.u32 $0xF7A, s1;
	s8 =	simm.s32 @!p0 $0x1BF5;
	p2 =	por !p2, p0  }
0x20: {  	[sflag:s8] =	ssyncset.s32 @!p0 $0xFFFFF086;
	s6 =	sadd.s32 @!p0 s3, s7;
	s7 =	simm.s32 @!p0 $0x108  }
0x21: {  	s3 =	sadd.s32 s3, s9;
	s6 =	sadd.s32 @!p0 $0x88, s6;
	s7 =	simm.s32 @p2 $0x1082  }
0x22: {  	[simem:s7], [sflag:s8] =	dma.local @!p0 [hbm:s6], $0xF7A  }
0x23: {  	s9 =	sor.u32 $0xD0000000, s2;
	s6 =	simm.s32 $0x108;
	_ =	swait.ge @!p0 [sflag:s8], $0x0  }
0x24: {  	s3 =	sadd.s32 $0x88, s3;
	s6 =	simm.s32 @!p1 $0x1082;
	[sflag:s4] =	ssyncset.s32 $0xFFFFF086  }
0x25: {  	[simem:s6], [sflag:s4] =	dma.local [hbm:s3], $0xF7A  }
0x26: {  	[smem:$0x3F9B] =	sst s1;
	(tag) =	ssettag s2;
	_ =	strace s9  }
0x27: {  	s1 =	sld [smem:$0x3FAB]  }
0x28: {  	s2 =	sld [smem:$0x3FAC]  }
0x29: {  	s4 =	sld [smem:$0x3FAE]  }
0x2a: {  	p0 =	seq.s32 s5, $0x0;
	s5 =	sld [smem:$0x3FAF]  }
0x2b: {  	s6 =	sld [smem:$0x3FB0]  }
0x2c: {  	s7 =	sld [smem:$0x3FB1]  }
0x2d: {  	s3 =	simm.s32 $0x108;
	s8 =	sld [smem:$0x3FB2]  }
0x2e: {  	s3 =	simm.s32 @!p0 $0x1082;
	s9 =	sld [smem:$0x3FB3]  }
0x2f: {  	lr =	sadd.s32 s0, s3;
	s0 =	sld [smem:$0x3FAA]  }
0x30: {  	s3 =	sld [smem:$0x3FAD]  }
0x31: {  	[smem:$0x3FB6] =	sst s10  }
0x32: {  	s10 =	sld [smem:$0x3FB4];
	_ =	sdelay $0x3  }
0x33: {  	p0 =	seq.s32 s10, $0x1;
	s10 =	sld [smem:$0x3FB6];
	_ =	sdelay $0x3  }
0x34: {  	[smem:$0x3FB6] =	sst s10  }
0x35: {  	s10 =	sld [smem:$0x3FB5];
	_ =	sdelay $0x3  }
0x36: {  	p1 =	seq.s32 s10, $0x1;
	s10 =	sld [smem:$0x3FB6];
	_ =	sdelay $0x3  }
0x37: {  	[smem:$0x3FB6] =	sst s10  }
0x38: {  	s10 =	sld [smem:$0x3FB7]  }
0x39: {  	_ = 	snop;
	(pc) =	sbr.ind lr, $3  }
0x3a: {  	_ = 	snop  }
0x3b: {  	_ = 	snop  }
0x3c: {  	p2 =	seq.s32 s10, $0x1;
	s10 =	sld [smem:$0x3FB6]  }
0x3d: {  	_ =	shalt  }
0x3e: {  	_ =	shalt  }
0x3f: {  	_ =	shalt  }
0x40: {  	_ =	shalt  }
0x41: {  	_ =	shalt  }
0x42: {  	_ =	shalt  }
0x43: {  	_ =	shalt  }
0x44: {  	_ =	shalt  }
0x45: {  	_ =	shalt  }
0x46: {  	_ =	shalt  }
0x47: {  	_ =	shalt  }
0x48: {  	_ =	shalt  }
0x49: {  	_ =	shalt  }
0x4a: {  	_ =	shalt  }
0x4b: {  	_ =	shalt  }
0x4c: {  	_ =	shalt  }
0x4d: {  	_ =	shalt  }
0x4e: {  	_ =	shalt  }
0x4f: {  	_ =	shalt  }
0x50: {  	_ =	shalt  }
0x51: {  	_ =	shalt  }
0x52: {  	_ =	shalt  }
0x53: {  	_ =	shalt  }
0x54: {  	_ =	shalt  }
0x55: {  	_ =	shalt  }
0x56: {  	_ =	shalt  }
0x57: {  	_ =	shalt  }
0x58: {  	_ =	shalt  }
0x59: {  	_ =	shalt  }
0x5a: {  	_ =	shalt  }
0x5b: {  	_ =	shalt  }
0x5c: {  	_ =	shalt  }
0x5d: {  	_ =	shalt  }
0x5e: {  	_ =	shalt  }
0x5f: {  	_ =	shalt  }
0x60: {  	_ =	shalt  }
0x61: {  	_ =	shalt  }
0x62: {  	_ =	shalt  }
0x63: {  	_ =	shalt  }
0x64: {  	_ =	shalt  }
0x65: {  	_ =	shalt  }
0x66: {  	_ =	shalt  }
0x67: {  	_ =	shalt  }
0x68: {  	_ =	shalt  }
0x69: {  	_ =	shalt  }
0x6a: {  	_ =	shalt  }
0x6b: {  	_ =	shalt  }
0x6c: {  	_ =	shalt  }
0x6d: {  	_ =	shalt  }
0x6e: {  	_ =	shalt  }
0x6f: {  	_ =	shalt  }
0x70: {  	_ =	shalt  }
0x71: {  	_ =	shalt  }
0x72: {  	_ =	shalt  }
0x73: {  	_ =	shalt  }
0x74: {  	_ =	shalt  }
0x75: {  	_ =	shalt  }
0x76: {  	_ =	shalt  }
0x77: {  	_ =	shalt  }
0x78: {  	_ =	shalt  }
0x79: {  	_ =	shalt  }
0x7a: {  	_ =	shalt  }
0x7b: {  	_ =	shalt  }
0x7c: {  	_ =	shalt  }
0x7d: {  	_ =	shalt  }
0x7e: {  	_ =	shalt  }
0x7f: {  	_ =	shalt  }
0x80: {  	_ =	shalt  }
0x81: {  	_ =	shalt  }
0x82: {  	_ =	shalt  }
0x83: {  	_ =	shalt  }
0x84: {  	_ =	shalt  }
0x85: {  	_ =	shalt  }
0x86: {  	_ =	shalt  }
0x87: {  	_ =	shalt  }
.Lfunc_end0:
.L_simem_size_0:
called_computation_lowered:
.L_overlay_start_0:
0x88: {  	s2 =	sld [smem:$0x3FD9]  }
0x89: {  	s3 =	sld [smem:$0x3FFE];
	_ =	sdelay $0x1  }
0x8a: {  	s1 =	srdreg.scid  }
0x8b: {  	s0 =	sand.u32 $0x1, s1  }
0x8c: {  	s17 =	sshll.u32 s0, $0xA;
	s2 =	sadd.s32 s3, s2  }
0x8d: {  	s2 =	sadd.s32 s2, s17  }
0x8e: {  	[smem:$0x3FC2] =	sst s2  }
0x8f: {  	_ = 	snop  }
0x90: {  	s2 =	sld [smem:$0x3FD0];
	(tm) =	ssettm $0x1  }
0x91: {  	s18 =	sld [smem:$0x3FFB];
	_ =	sdelay $0x3  }
0x92: {  	_ =	strace s18  }
0x93: {  	s3 =	sld [smem:$0x3FFC];
	_ =	sdelay $0x3  }
0x94: {  	_ =	strace s3  }
0x95: {  	s3 =	sld [smem:$0x3FFD];
	_ =	sdelay $0x3  }
0x96: {  	_ =	strace s3  }
0x97: {  	_ =	strace $0x8FFFFFFF  }
0x98: {  	s19 =	sld [smem:$0x3FDB];
	_ =	sdelay $0x1  }
0x99: {  	s4 =	simm.s32 $_scs_section_size  }
0x9a: {  	s5 =	simm.s32 $_size__tile_overlayer_lowered;
	s6 =	simm.s32 $_tile_overlayer_lowered  }
0x9b: {  	s22 =	simm.s32 $0x1BFF;
	s21 =	sshll.u32 s6, $0x1;
	s3 =	sadd.s32 s4, s19  }
0x9c: {  	s7 =	simm.s32 $0x0;
	s20 =	sshll.u32 s5, $0x1;
	s5 =	sadd.s32 s21, s3  }
0x9d: {  	[timem:s7], [sflag:s22] =	dma.local [hbm:s5], s20  }
0x9e: {  	_ =	swait.ge [sflag:s22], s20  }
0x9f: {  	s4 =	ssub.s32 $0x0, s20;
	[sflag:s22] =	ssyncset.done $0x0  }
0xa0: {  	[sflag:s22] =	ssyncadd.s32 s4;
	_ =	sdelay $0x1  }
0xa1: {  	s23 =	simm.s32 $0x1B8B  }
0xa2: {  	_ =	swait.ge [sflag:s23], $0x1  }
0xa3: {  	[sflag:s23] =	ssyncset.done $0x0  }
0xa4: {  	s25 =	simm.s32 $0x1B8E;
	s24 =	sld [smem:$0x3FFE];
	[sflag:s23] =	ssyncadd.s32 $0xFFFFFFFF  }
0xa5: {  	s26 =	simm.s32 $execute0_lowered;
	[smem:$0x3FD2] =	sst s25  }
0xa6: {  	s5 =	sshll.u32 s26, $0x1;
	_ =	strace $0x80000046;
	[dreg:$0x1] =	wrdreg $0xFFFFFFFF  }
0xa7: {  	s28 =	simm.s32 $_size_execute0_lowered;
	s3 =	sadd.s32 s3, s5;
	[dreg:$0x0] =	wrdreg $0x0  }
0xa8: {  	s5 =	sshll.u32 s28, $0x1;
	[dreg:$0x2] =	wrdreg s3  }
0xa9: {  	[dreg:$0x3] =	wrdreg s5  }
0xaa: {  	[dreg:$0x4] =	wrdreg $0xC0  }
0xab: {  	_ =	task [dreg:s7], $0x5FFFF  }
0xac: {  	[dreg:$0x1] =	wrdreg $0xFFFFFFFF  }
0xad: {  	[dreg:$0x0] =	wrdreg $0x60  }
0xae: {  	[dreg:$0x2] =	wrdreg s24  }
0xaf: {  	[dreg:$0x3] =	wrdreg s2  }
0xb0: {  	[dreg:$0x4] =	wrdreg $0x2D00  }
0xb1: {  	[dreg:$0x5] =	wrdreg $0x9  }
0xb2: {  	_ =	task.clear_ibuf [dreg:s7], $0x6FFFF;
	_ =	strace $0x90000046  }
0xb3: {  	s29 =	simm.s32 $0x9;
	_ =	strace $0x80000048  }
0xb4: {  	_ =	swait.ge [sflag:s29], $0x1  }
0xb5: {  	[sflag:s29] =	ssyncadd.s32 $0xFFFFFFFF  }
0xb6: {  	_ =	strace $0x90000048  }
0xb7: {  	_ =	sfence  }
0xb8: {  	s30 =	sld [smem:$0x0];
	_ =	sdelay $0x2  }
0xb9: {  	s31 =	sshll.u32 s1, $0xD;
	s1 =	sshrl.u32 s1, $0x2  }
0xba: {  	s3 =	sand.u32 $0x4000, s31;
	s1 =	sadd.s32 s1, s30  }
0xbb: {  	s0 =	sor.u32 s3, s0;
	s1 =	sshll.u32 s1, $0x11  }
0xbc: {  	s0 =	sor.u32 s1, s0  }
0xbd: {  	s0 =	sadd.s32 $0x8F2B, s0  }
0xbe: {  	[sflag:s0] =	ssyncadd.remote.s32 $0x1  }
0xbf: {  	_ =	sfence.sel $0xFFFF  }
0xc0: {  	[dreg:$0x0] =	wrdreg $0xFFFFFFFF;
	(pc) =	sbr.abs _section_cstart, $3  }
0xc1: {  	[dreg:$0x1] =	wrdreg $0xFFFFFFFF  }
0xc2: {  	_ =	task.clear_ibuf [dreg:s7], $0x2FFFF;
	_ =	strace $0x9FFFFFFF  }
0xc3: {  	(tm) =	ssettm $0x7FFFFFFF  }
tec
execute0_lowered:
.L_overlay_start_1:
0x0: {  	(tag) =	ssettag $0x1  }
0x1: {  	s5 =	rddreg [dreg:$0x0]  }
0x2: {  	s0 =	srdreg.scid;
	s7 =	rddreg [dreg:$0x1]  }
0x3: {  	s2 =	rddreg [dreg:$0x2];
	s6 =	sand.u32 $0x1, s0  }
0x4: {  	s0 =	stileid.u32;
	s4 =	smul.u32 $0x27100, s6  }
0x5: {  	s1 =	rddreg [dreg:$0x3];
	s3 =	simm.s32 $0x0;
	s8 =	smul.u32 $0x2710, s0  }
0x6: {  	s13 =	simm.s32 $0x0;
	[smem:$0x7FF] =	sst s3;
	s30 =	smul.u32 $0x1388, s0  }
0x7: {  	_ =	strace $0x80000047;
	s9 =	smul.u32 $0x13880, s6;
	s6 =	ssub.s32 $0x2, s6  }
0x8: {  	s31 =	sshll.u32 s0, $0x6;
	s11 =	sshrl.u32 s6, $0x1;
	s4 =	sadd.s32 s8, s4  }
0x9: {  	s9 =	sadd.s32 s30, s9;
	s11 =	ssub.s32 s6, s11;
	s12 =	sadd.s32 s30, s2  }
0xa: {  	s6 =	sor.u32 $0x1C01, s31;
	s4 =	sshrl.u32 s4, $0x3;
	s9 =	sshrl.u32 s9, $0x3  }
0xb: {  	s8 =	smax.u32 s11, $0x1;
	s11 =	simm.s32 $0x1;
	s10 =	sadd.s32 s4, s5  }
0xc: {  	s4 =	sadd.s32 $0x15200, s5;
	s5 =	sadd.s32 $0x15400, s5;
	s7 =	sadd.s32 s7, s9  }
0xd: {  	s9 =	sadd.s32 $0xB400, s10;
	s10 =	sshrl.u32 s12, $0x3;
	s12 =	simm.s32 $0x50  }
.LBB2_1:
0xe: {  	[spmem:s10], [sflag:s6] =	dma.local [hbm:s5], $0x271  }
0xf: {  	_ =	swait.ge [sflag:s11], $0x271  }
0x10: {  	[sflag:s11] =	ssyncset.done $0x0  }
0x11: {  	[sflag:s11] =	ssyncadd.s32 $0xFFFFFD8F  }
0x12: {  	[tilespmem:s12], [sflag:$0x1] =	stream.linear.gather [hbm4b:s4+s3], $0x280, $0x38;
	[tilespmem:$0x1658] =	vst v63  }
0x13: {  	_ =	swait.ge [sflag:s11], $0x280  }
0x14: {  	[sflag:s11] =	ssyncset.done $0x0  }
0x15: {  	[sflag:s11] =	ssyncadd.s32 $0xFFFFFD80  }
0x16: {  	s14 =	sadd.s32 $0x0, s9;
	[bflag:$0x0] =	sbarrier.arrive $0xFFFF  }
0x17: {  	[tilespmem:s3], [sflag:$0x1] =	stream.linear.gather [hbm4b:s14+s3], $0x50, $0x38;
	[tilespmem:$0x1658] =	vst v63  }
0x18: {  	_ =	swait.ge [sflag:s11], $0x50  }
0x19: {  	[sflag:s11] =	ssyncset.done $0x0  }
0x1a: {  	[sflag:s11] =	ssyncadd.s32 $0xFFFFFFB0  }
0x1b: {  	[spmem:s2] =	stream.indirect.scatter.add.f32 [tilespmem:s12], [sflag:$0x1], $0x8, s3, s12, $0xb8;
	[tilespmem:$0x1658] =	vst v63  }
0x1c: {  	_ =	swait.ge [sflag:s11], $0x280  }
0x1d: {  	s15 =	simm.s32 $0x14;
	s14 =	simm.s32 $0xA;
	[sflag:s11] =	ssyncset.done $0x0  }
.LBB2_2:
0x1e: {  	s16 =	sadd.s32 s14, s9  }
0x1f: {  	[sflag:s11] =	ssyncadd.s32 $0xFFFFFD80;
	s14 =	smov.u32 s15;
	s17 =	sadd.s32 $0xA, s15  }
0x20: {  	[tilespmem:s3], [sflag:$0x1] =	stream.linear.gather [hbm4b:s16+s3], $0x50, $0x38;
	[tilespmem:$0x1658] =	vst v63  }
0x21: {  	p0 =	sne.s32 s15, $0x4D8;
	_ =	swait.ge [sflag:s11], $0x50  }
.Ltmp0:
0x22: {  	[sflag:s11] =	ssyncset.done $0x0;
	(pc) =	sbr.rel @p0 .LBB2_2-.Ltmp0, $4  }
0x23: {  	[sflag:s11] =	ssyncadd.s32 $0xFFFFFFB0  }
0x24: {  	[spmem:s2] =	stream.indirect.scatter.add.f32 [tilespmem:s12], [sflag:$0x1], $0x8, s3, s12, $0xb8;
	[tilespmem:$0x1658] =	vst v63  }
0x25: {  	_ =	swait.ge [sflag:s11], $0x280  }
0x26: {  	s15 =	smov.u32 s17;
	[sflag:s11] =	ssyncset.done $0x0  }
0x27: {  	s14 =	sadd.s32 s14, s9;
	[sflag:s11] =	ssyncadd.s32 $0xFFFFFD80  }
0x28: {  	[tilespmem:s3], [sflag:$0x1] =	stream.linear.gather [hbm4b:s14+s3], $0x50, $0x38;
	[tilespmem:$0x1658] =	vst v63  }
0x29: {  	_ =	swait.ge [sflag:s11], $0x50  }
0x2a: {  	[sflag:s11] =	ssyncset.done $0x0  }
0x2b: {  	[sflag:s11] =	ssyncadd.s32 $0xFFFFFFB0  }
0x2c: {  	[spmem:s2] =	stream.indirect.scatter.add.f32 [tilespmem:s12], [sflag:$0x1], $0x8, s3, s12, $0xb8;
	[tilespmem:$0x1658] =	vst v63  }
0x2d: {  	_ =	swait.ge [sflag:s11], $0x280  }
0x2e: {  	s13 =	sadd.s32 $0x1, s13;
	[sflag:s11] =	ssyncset.done $0x0  }
0x2f: {  	p0 =	sne.s32 s13, s8;
	[sflag:s11] =	ssyncadd.s32 $0xFFFFFD80  }
.Ltmp1:
0x30: {  	[bflag:$0x0] =	sbarrier.arrive $0xFFFF;
	(pc) =	sbr.rel @p0 .LBB2_1-.Ltmp1, $4  }
0x31: {  	[hbm:s7], [sflag:s6] =	dma.local [spmem:s10], $0x271  }
0x32: {  	_ =	swait.ge [sflag:s11], $0x271  }
0x33: {  	[sflag:s11] =	ssyncset.done $0x0  }
0x34: {  	[sflag:s11] =	ssyncadd.s32 $0xFFFFFD8F  }
0x35: {  	_ =	sfence.sel $0x180000  }
0x36: {  	[bflag:$0x0] =	sbarrier.arrive $0xFFFF  }
0x37: {  	p0 =	sne.s32 s0, $0x0;
	_ =	strace $0x90000047  }
0x38: {  	s0 =	sadd.s32 @!p0 $0x100000, s1;
	[bflag:$0x2] =	sbarrier.arrive $0xFFFF  }
0x39: {  	[sflag:s0] =	ssyncadd.tile.s32 @!p0 $0x1;
	_ =	shalt  }
.Lfunc_end2:
_tile_overlayer_lowered:
.L_overlay_start_2:
0x3a: {  	(tag) =	ssettag $0x2  }
0x3b: {  	s0 =	rddreg [dreg:$0x0];
	s2 =	stileid.u32  }
0x3c: {  	s1 =	rddreg [dreg:$0x1];
	p0 =	sne.s32 s2, $0x0  }
0x3d: {  	s3 =	rddreg [dreg:$0x2];
	[bflag:$0x3] =	sbarrier.arrive $0xFFFF;
	s2 =	simm.s32 @!p0 $0x1C01  }
0x3e: {  	[timem:s3], [sflag:s2] =	dma.local @!p0 [hbm:s0], s1  }
0x3f: {  	s0 =	simm.s32 @!p0 $0x1  }
0x40: {  	_ =	swait.ge @!p0 [sflag:s0], s1  }
0x41: {  	s1 =	ssub.s32 @!p0 $0x0, s1;
	[sflag:s0] =	ssyncset.done @!p0 $0x0  }
0x42: {  	[sflag:s0] =	ssyncadd.s32 @!p0 s1  }
0x43: {  	[bflag:$0x3] =	sbarrier.arrive $0xFFFF  }
0x44: {  	_ =	shalt  }

</sc_bundles>
